<compile_context>
chip_gen: v7x
topology: tpu7x:2x2x1
jax: 0.10.2.dev20260603
libtpu: 0.0.44.dev20260713+nightly
codegen_flags: <defaults>
</compile_context>

<pallas_src>
import dataclasses
import functools

import jax
import jax.numpy as jnp
from jax import lax
from jax.experimental import pallas as pl
from jax.experimental.pallas import tpu as pltpu
from jax.experimental.pallas import tpu_sc as plsc

N = 10000
NP = 10240
E = 160000
EP = 163840
PAD = N
IN_F = 256
HID = 512
OUT_F = 128
NSC = 2
NTI = 16
ROWS_PER_TILE = NP // NTI
EDGES_PER_TILE = EP // NTI
NB = EDGES_PER_TILE // 128
CH = 16
NCH = NB // CH
DEG_EPT = EP // (NSC * NTI)
BN = 256

_VMESH = plsc.VectorSubcoreMesh(core_axis_name="core", subcore_axis_name="subcore")

_CP = pltpu.CompilerParams()
if "needs_layout_passes" in pltpu.CompilerParams.__dataclass_fields__:
    _CP = dataclasses.replace(_CP, needs_layout_passes=False)



@functools.partial(
    pl.kernel,
    out_type=jax.ShapeDtypeStruct((NSC * NTI * NP,), jnp.float32),
    mesh=_VMESH,
    scratch_types=[
        pltpu.VMEM((NP,), jnp.float32),
        pltpu.VMEM((DEG_EPT,), jnp.int32),
    ],
    compiler_params=_CP,
)
def _deg_kernel(dst_hbm, out_hbm, deg_v, idx_v):
    c = lax.axis_index("core")
    s = lax.axis_index("subcore")
    w = s * NSC + c
    ebase = pl.multiple_of(w * DEG_EPT, DEG_EPT)
    pltpu.sync_copy(dst_hbm.at[pl.ds(ebase, DEG_EPT)], idx_v)

    z16 = jnp.zeros((16,), jnp.float32)

    @pl.loop(0, NP, step=16)
    def _(i):
        deg_v[pl.ds(i, 16)] = z16

    ones = jnp.ones((16,), jnp.float32)

    @pl.loop(0, DEG_EPT, step=16)
    def _(j):
        plsc.addupdate_scatter(deg_v, [idx_v[pl.ds(j, 16)]], ones)

    obase = pl.multiple_of(w * NP, NP)
    pltpu.sync_copy(deg_v, out_hbm.at[pl.ds(obase, NP)])



def _make_prop(feature_split, nb, ch):
    nch = nb // ch
    @functools.partial(
        pl.kernel,
        out_type=jax.ShapeDtypeStruct((NSC * NP, 128), jnp.float32),
        mesh=_VMESH,
        scratch_types=[
            pltpu.VMEM((ch * 128,), jnp.int32),
            pltpu.VMEM((nb, 128), jnp.int32),
            pltpu.VMEM((128, 128), jnp.float32),
            pltpu.VMEM((128, 128), jnp.float32),
            pltpu.VMEM_SHARED((NP, 128), jnp.float32),
            pltpu.SemaphoreType.DMA,
            pltpu.SemaphoreType.DMA,
        ],
        compiler_params=_CP,
    )
    def prop(u_hbm, src_hbm, dst_hbm, t_hbm, sidx, didx, rows0, rows1, acc,
             sem0, sem1):
        c = lax.axis_index("core")
        s = lax.axis_index("subcore")
        if feature_split:
            tile_ebase = s * (nb * 128)
        else:
            tile_ebase = (s * NSC + c) * (nb * 128)
        rowbase = pl.multiple_of(tile_ebase // 128, 8)
        pltpu.sync_copy(dst_hbm.at[pl.ds(rowbase, nb)], didx)

        abase = pl.multiple_of(s * ROWS_PER_TILE, 128)
        if feature_split:
            ubase = pl.multiple_of(c * NP + s * ROWS_PER_TILE, 128)
            pltpu.sync_copy(u_hbm.at[pl.ds(ubase, ROWS_PER_TILE)],
                            acc.at[pl.ds(abase, ROWS_PER_TILE)])
        else:
            @pl.when(c == 0)
            def _():
                ubase = pl.multiple_of(s * ROWS_PER_TILE, 128)
                pltpu.sync_copy(u_hbm.at[pl.ds(ubase, ROWS_PER_TILE)],
                                acc.at[pl.ds(abase, ROWS_PER_TILE)])

            @pl.when(c != 0)
            def _():
                z16 = jnp.zeros((16,), jnp.float32)

                @pl.loop(0, 128)
                def _(r):
                    @pl.loop(0, 128, step=16)
                    def _(j):
                        rows0[r, pl.ds(j, 16)] = z16

                @pl.loop(0, ROWS_PER_TILE, step=128)
                def _(r):
                    zbase = pl.multiple_of(s * ROWS_PER_TILE + r, 128)
                    pltpu.sync_copy(rows0, acc.at[pl.ds(zbase, 128)])

        plsc.subcore_barrier()

        def start_gather(b, buf, sem):
            pltpu.async_copy(u_hbm.at[sidx.at[pl.ds(b * 128, 128)]], buf, sem)

        def wait_gather(buf, sem):
            pltpu.make_async_copy(
                u_hbm.at[sidx.at[pl.ds(0, 128)]], buf, sem).wait()

        @pl.loop(0, nch)
        def _(k):
            ebase = pl.multiple_of(tile_ebase + k * (ch * 128), 128)
            pltpu.sync_copy(src_hbm.at[pl.ds(ebase, ch * 128)], sidx)

            if feature_split:
                @pl.loop(0, ch * 128, step=16)
                def _(j):
                    sidx[pl.ds(j, 16)] = sidx[pl.ds(j, 16)] + c * NP

            start_gather(0, rows0, sem0)
            start_gather(1, rows1, sem1)
            dbase = k * ch

            @pl.loop(0, ch - 2, step=2)
            def _(g):
                wait_gather(rows0, sem0)
                pltpu.sync_copy(rows0, acc.at[didx.at[dbase + g]], add=True)
                start_gather(g + 2, rows0, sem0)
                wait_gather(rows1, sem1)
                pltpu.sync_copy(rows1, acc.at[didx.at[dbase + g + 1]], add=True)
                start_gather(g + 3, rows1, sem1)

            wait_gather(rows0, sem0)
            pltpu.sync_copy(rows0, acc.at[didx.at[dbase + ch - 2]], add=True)
            wait_gather(rows1, sem1)
            pltpu.sync_copy(rows1, acc.at[didx.at[dbase + ch - 1]], add=True)

        plsc.subcore_barrier()
        base = pl.multiple_of(s * ROWS_PER_TILE, 128)
        tbase = pl.multiple_of(c * NP + s * ROWS_PER_TILE, 128)
        pltpu.sync_copy(acc.at[pl.ds(base, ROWS_PER_TILE)],
                        t_hbm.at[pl.ds(tbase, ROWS_PER_TILE)])

    return prop


_prop_f = _make_prop(True, NB, CH)
_prop_e = _make_prop(False, EP // (32 * 128), 10)



def _k0_body(deg_ref, x_ref, dinv_ref, u1_ref):
    d = jnp.sum(deg_ref[...], axis=0) + 1.0
    di = lax.rsqrt(d)[:, None]
    dinv_ref[...] = di
    u1_ref[...] = x_ref[...] * di


_k0 = pl.pallas_call(
    _k0_body,
    grid=(NP // BN,),
    in_specs=[
        pl.BlockSpec((NSC * NTI, BN), lambda i: (0, i)),
        pl.BlockSpec((BN, IN_F), lambda i: (i, 0)),
    ],
    out_specs=[
        pl.BlockSpec((BN, 1), lambda i: (i, 0)),
        pl.BlockSpec((BN, IN_F), lambda i: (i, 0)),
    ],
    out_shape=[
        jax.ShapeDtypeStruct((NP, 1), jnp.float32),
        jax.ShapeDtypeStruct((NP, IN_F), jnp.float32),
    ],
)



def _k1_body(t1_ref, u1_ref, dinv_ref, w1_ref, b1_ref, w2_ref, u2_ref):
    di = dinv_ref[...]
    t = jnp.concatenate([t1_ref[0], t1_ref[1]], axis=1)
    p1 = di * (t + u1_ref[...])
    h = jnp.dot(p1, w1_ref[...], preferred_element_type=jnp.float32)
    h = jnp.maximum(h + b1_ref[...], 0.0)
    q2 = jnp.dot(h, w2_ref[...], preferred_element_type=jnp.float32)
    u2_ref[...] = di * q2


_k1 = pl.pallas_call(
    _k1_body,
    grid=(NP // BN,),
    in_specs=[
        pl.BlockSpec((NSC, BN, 128), lambda i: (0, i, 0)),
        pl.BlockSpec((BN, IN_F), lambda i: (i, 0)),
        pl.BlockSpec((BN, 1), lambda i: (i, 0)),
        pl.BlockSpec((IN_F, HID), lambda i: (0, 0)),
        pl.BlockSpec((1, HID), lambda i: (0, 0)),
        pl.BlockSpec((HID, OUT_F), lambda i: (0, 0)),
    ],
    out_specs=pl.BlockSpec((BN, OUT_F), lambda i: (i, 0)),
    out_shape=jax.ShapeDtypeStruct((NP, OUT_F), jnp.float32),
)



def _k2_body(t2_ref, u2_ref, dinv_ref, b2_ref, out_ref):
    di = dinv_ref[...]
    t = t2_ref[0] + t2_ref[1]
    out_ref[...] = di * (t + u2_ref[...]) + b2_ref[...]


_k2 = pl.pallas_call(
    _k2_body,
    grid=(NP // BN,),
    in_specs=[
        pl.BlockSpec((NSC, BN, OUT_F), lambda i: (0, i, 0)),
        pl.BlockSpec((BN, OUT_F), lambda i: (i, 0)),
        pl.BlockSpec((BN, 1), lambda i: (i, 0)),
        pl.BlockSpec((1, OUT_F), lambda i: (0, 0)),
    ],
    out_specs=pl.BlockSpec((BN, OUT_F), lambda i: (i, 0)),
    out_shape=jax.ShapeDtypeStruct((NP, OUT_F), jnp.float32),
)


def kernel(x, edge_index, W1, b1, W2, b2):
    src = edge_index[0].astype(jnp.int32)
    dst = edge_index[1].astype(jnp.int32)
    padl = EP - E
    pad_ids = PAD + jnp.arange(padl, dtype=jnp.int32) % (NP - N)
    src_flat = jnp.concatenate([src, pad_ids])
    dst_flat = jnp.concatenate([dst, pad_ids])
    dst2d = dst_flat.reshape(EP // 128, 128)
    x_pad = jnp.pad(x, ((0, NP - N), (0, 0)))

    deg_parts = _deg_kernel(dst_flat).reshape(NSC * NTI, NP)
    dinv, u1 = _k0(deg_parts, x_pad)

    t1 = _prop_f(u1.reshape(NSC * NP, 128), src_flat, dst2d)
    u2 = _k1(t1.reshape(NSC, NP, 128), u1, dinv, W1, b1.reshape(1, HID), W2)
    t2 = _prop_e(u2, src_flat, dst2d)
    logits = _k2(t2.reshape(NSC, NP, OUT_F), u2, dinv, b2.reshape(1, OUT_F))
    return logits[:N]

# --- scband reference (transcript-rebuilt; emitter-appended) ---
"""Pipeline reference for scband-gnnpolicy-12292196401827 (READ-ONLY COPY).

The authoritative reference and input builder live on the scoring server;
editing this copy changes nothing except your own understanding.
"""

import jax, jax.numpy as jnp
import numpy as np

N_NODES = 10000
N_EDGES = 160000
IN_F = 256
HID = 512
OUT_F = 128


def setup_inputs(seed: int = 0) -> dict:
    key = jax.random.key(seed)
    k1, k2, k3, k4, k5, k6 = jax.random.split(key, 6)
    x = jax.random.normal(k1, (N_NODES, IN_F), dtype=jnp.float32)
    edge_index = jax.random.randint(k2, (2, N_EDGES), 0, N_NODES)
    W1 = jax.random.normal(k3, (IN_F, HID), dtype=jnp.float32) * (1.0 / np.sqrt(IN_F))
    b1 = jnp.zeros((HID,), dtype=jnp.float32)
    W2 = jax.random.normal(k4, (HID, OUT_F), dtype=jnp.float32) * (1.0 / np.sqrt(HID))
    b2 = jnp.zeros((OUT_F,), dtype=jnp.float32)
    return {"x": x, "edge_index": edge_index, "W1": W1, "b1": b1, "W2": W2, "b2": b2}


def _gcn_conv(x, edge_index, W, b):
    # GCNConv (PyG semantics): linear transform, add self-loops,
    # symmetric deg^{-1/2} normalization, sum aggregation, bias.
    n = x.shape[0]
    src = edge_index[0]
    dst = edge_index[1]
    loop = jnp.arange(n, dtype=src.dtype)
    src = jnp.concatenate([src, loop], axis=0)
    dst = jnp.concatenate([dst, loop], axis=0)
    xw = x @ W
    ones = jnp.ones(src.shape[0], dtype=xw.dtype)
    deg = jax.ops.segment_sum(ones, dst, num_segments=n)
    deg_inv_sqrt = jnp.where(deg > 0, jax.lax.rsqrt(jnp.maximum(deg, 1e-12)), 0.0)
    norm = deg_inv_sqrt[src] * deg_inv_sqrt[dst]
    msgs = xw[src] * norm[:, None]
    out = jax.ops.segment_sum(msgs, dst, num_segments=n)
    return out + b


def reference(x, edge_index, W1, b1, W2, b2):
    h = jax.nn.relu(_gcn_conv(x, edge_index, W1, b1))
    logits = _gcn_conv(h, edge_index, W2, b2)
    return logits

if __name__ == "__main__":
    import jax
    _d = setup_inputs()
    print(jax.jit(kernel)(*tuple(_d.values())))

</pallas_src>

<mosaic_0001>
#map = affine_map<(d0, d1) -> (0, 0)>
#map1 = affine_map<(d0, d1) -> (0)>
module attributes {stable_mosaic.version = 14 : i64} {
  func.func @prop(%arg0: i32, %arg1: i32, %arg2: memref<20480x128xf32, #tpu.memory_space<hbm>>, %arg3: memref<163840xi32, #tpu.memory_space<hbm>>, %arg4: memref<1280x128xi32, #tpu.memory_space<hbm>>, %arg5: memref<20480x128xf32, #tpu.memory_space<hbm>>, %arg6: memref<2048xi32, #tpu.memory_space<vmem>>, %arg7: memref<80x128xi32, #tpu.memory_space<vmem>>, %arg8: memref<128x128xf32, #tpu.memory_space<vmem>>, %arg9: memref<128x128xf32, #tpu.memory_space<vmem>>, %arg10: memref<10240x128xf32, #tpu.memory_space<vmem_shared>>, %arg11: memref<!tpu.dma_semaphore, #tpu.memory_space<semaphore_mem>>, %arg12: memref<!tpu.dma_semaphore, #tpu.memory_space<semaphore_mem>>) attributes {dimension_semantics = [#tpu.dimension_semantics<core_parallel>, #tpu.dimension_semantics<subcore_parallel>], iteration_bounds = array<i64: 2, 16>, scalar_prefetch = 0 : i64, scratch_operands = 7 : i64, tpu.core_type = #tpu.core_type<sc_vector_subcore>, window_params = [{transform_indices = #map}, {transform_indices = #map1}, {transform_indices = #map}, {transform_indices = #map}]} {
    %mul3A = arith.constant 10240 : i32
    %mul3A_0 = arith.muli %arg1, %mul3A : i32
    %jit3A = arith.constant 128 : i32
    %div3A = arith.divsi %mul3A_0, %jit3A : i32
    %sign3A = arith.constant 0 : i32
    %sign3A_1 = arith.cmpi sgt, %mul3A_0, %sign3A : i32
    %sign3A_2 = arith.extui %sign3A_1 : i1 to i32
    %sign3A_3 = arith.constant 0 : i32
    %sign3A_4 = arith.cmpi slt, %mul3A_0, %sign3A_3 : i32
    %sign3A_5 = arith.extui %sign3A_4 : i1 to i32
    %sign3A_6 = arith.subi %sign3A_2, %sign3A_5 : i32
    %sign3A_7 = arith.constant 0 : i32
    %sign3A_8 = arith.cmpi sgt, %jit3A, %sign3A_7 : i32
    %sign3A_9 = arith.extui %sign3A_8 : i1 to i32
    %sign3A_10 = arith.constant 0 : i32
    %sign3A_11 = arith.cmpi slt, %jit3A, %sign3A_10 : i32
    %sign3A_12 = arith.extui %sign3A_11 : i1 to i32
    %sign3A_13 = arith.subi %sign3A_9, %sign3A_12 : i32
    %ne3A = arith.cmpi ne, %sign3A_6, %sign3A_13 : i32
    %rem3A = arith.remsi %mul3A_0, %jit3A : i32
    %ne3A_14 = arith.constant 0 : i32
    %ne3A_15 = arith.cmpi ne, %rem3A, %ne3A_14 : i32
    %and3A = arith.andi %ne3A, %ne3A_15 : i1
    %sub3A = arith.constant 1 : i32
    %sub3A_16 = arith.subi %div3A, %sub3A : i32
    %select_n3A = arith.select %and3A, %sub3A_16, %div3A : i32
    %multiple_of3A = tpu.assume_multiple %select_n3A, 8 : i32
    "tpu.region"() ({
      %run_scoped3A = tpu.sem_alloc : memref<!tpu.dma_semaphore, #tpu.memory_space<semaphore_mem>>
      %dma_start3A = arith.constant 0 : i32
      %dma_start3A_39 = tpu.memref_slice %arg4[%multiple_of3A, %dma_start3A] : memref<1280x128xi32, #tpu.memory_space<hbm>> -> memref<80x128xi32, #tpu.memory_space<hbm>>
      %dma_start3A_40 = arith.constant 0 : i32
      %dma_start3A_41 = tpu.memref_slice %arg4[%multiple_of3A, %dma_start3A_40] : memref<1280x128xi32, #tpu.memory_space<hbm>> -> memref<80x128xi32, #tpu.memory_space<hbm>>
      tpu.enqueue_dma source(%dma_start3A_41 : memref<80x128xi32, #tpu.memory_space<hbm>>) target(%arg7 : memref<80x128xi32, #tpu.memory_space<vmem>>) target_semaphore(%run_scoped3A : memref<!tpu.dma_semaphore, #tpu.memory_space<semaphore_mem>>)
      %dma_wait3A = arith.constant 0 : i32
      %dma_wait3A_42 = tpu.memref_slice %arg4[%multiple_of3A, %dma_wait3A] : memref<1280x128xi32, #tpu.memory_space<hbm>> -> memref<80x128xi32, #tpu.memory_space<hbm>>
      %dma_wait3A_43 = arith.constant 0 : i32
      %dma_wait3A_44 = tpu.memref_slice %arg4[%multiple_of3A, %dma_wait3A_43] : memref<1280x128xi32, #tpu.memory_space<hbm>> -> memref<80x128xi32, #tpu.memory_space<hbm>>
      tpu.wait_dma2 semaphore(%run_scoped3A : memref<!tpu.dma_semaphore, #tpu.memory_space<semaphore_mem>>) src(%dma_wait3A_44 : memref<80x128xi32, #tpu.memory_space<hbm>>) dst(%arg7 : memref<80x128xi32, #tpu.memory_space<vmem>>)
      tpu.yield
    }) : () -> ()
    %mul3A_17 = arith.constant 640 : i32
    %mul3A_18 = arith.muli %arg1, %mul3A_17 : i32
    %multiple_of3A_19 = tpu.assume_multiple %mul3A_18, 128 : i32
    %mul3A_20 = arith.constant 10240 : i32
    %mul3A_21 = arith.muli %arg0, %mul3A_20 : i32
    %mul3A_22 = arith.constant 640 : i32
    %mul3A_23 = arith.muli %arg1, %mul3A_22 : i32
    %add3A = arith.addi %mul3A_21, %mul3A_23 : i32
    %multiple_of3A_24 = tpu.assume_multiple %add3A, 128 : i32
    "tpu.region"() ({
      %run_scoped3A = tpu.sem_alloc : memref<!tpu.dma_semaphore, #tpu.memory_space<semaphore_mem>>
      %dma_start3A = arith.constant 0 : i32
      %dma_start3A_39 = tpu.memref_slice %arg10[%multiple_of3A_19, %dma_start3A] : memref<10240x128xf32, #tpu.memory_space<vmem_shared>> -> memref<640x128xf32, #tpu.memory_space<vmem_shared>>
      %dma_start3A_40 = arith.constant 0 : i32
      %dma_start3A_41 = tpu.memref_slice %arg2[%multiple_of3A_24, %dma_start3A_40] : memref<20480x128xf32, #tpu.memory_space<hbm>> -> memref<640x128xf32, #tpu.memory_space<hbm>>
      tpu.enqueue_dma source(%dma_start3A_41 : memref<640x128xf32, #tpu.memory_space<hbm>>) target(%dma_start3A_39 : memref<640x128xf32, #tpu.memory_space<vmem_shared>>) target_semaphore(%run_scoped3A : memref<!tpu.dma_semaphore, #tpu.memory_space<semaphore_mem>>)
      %dma_wait3A = arith.constant 0 : i32
      %dma_wait3A_42 = tpu.memref_slice %arg10[%multiple_of3A_19, %dma_wait3A] : memref<10240x128xf32, #tpu.memory_space<vmem_shared>> -> memref<640x128xf32, #tpu.memory_space<vmem_shared>>
      %dma_wait3A_43 = arith.constant 0 : i32
      %dma_wait3A_44 = tpu.memref_slice %arg2[%multiple_of3A_24, %dma_wait3A_43] : memref<20480x128xf32, #tpu.memory_space<hbm>> -> memref<640x128xf32, #tpu.memory_space<hbm>>
      tpu.wait_dma2 semaphore(%run_scoped3A : memref<!tpu.dma_semaphore, #tpu.memory_space<semaphore_mem>>) src(%dma_wait3A_44 : memref<640x128xf32, #tpu.memory_space<hbm>>) dst(%dma_wait3A_42 : memref<640x128xf32, #tpu.memory_space<vmem_shared>>)
      tpu.yield
    }) : () -> ()
    %barrier3A = arith.constant 0 : index
    tpu.barrier barrier_id(%barrier3A)
    %scan3A = arith.constant 0 : i32
    %scan3A_25 = arith.constant 5 : i32
    %scan3A_26 = arith.addi %scan3A, %scan3A_25 : i32
    %scan3A_27 = arith.constant 1 : i32
    scf.for %scan3A_39 = %scan3A to %scan3A_26 step %scan3A_27  : i32 {
      %mul3A_40 = arith.constant 1 : i32
      %mul3A_41 = arith.muli %scan3A_39, %mul3A_40 : i32
      %add3A_42 = arith.constant 0 : i32
      %add3A_43 = arith.addi %add3A_42, %mul3A_41 : i32
      %mul3A_44 = arith.constant 2048 : i32
      %mul3A_45 = arith.muli %add3A_43, %mul3A_44 : i32
      %add3A_46 = arith.addi %mul3A_0, %mul3A_45 : i32
      %multiple_of3A_47 = tpu.assume_multiple %add3A_46, 128 : i32
      "tpu.region"() ({
        %run_scoped3A = tpu.sem_alloc : memref<!tpu.dma_semaphore, #tpu.memory_space<semaphore_mem>>
        %dma_start3A_86 = tpu.memref_slice %arg3[%multiple_of3A_47] : memref<163840xi32, #tpu.memory_space<hbm>> -> memref<2048xi32, #tpu.memory_space<hbm>>
        %dma_start3A_87 = tpu.memref_slice %arg3[%multiple_of3A_47] : memref<163840xi32, #tpu.memory_space<hbm>> -> memref<2048xi32, #tpu.memory_space<hbm>>
        tpu.enqueue_dma source(%dma_start3A_87 : memref<2048xi32, #tpu.memory_space<hbm>>) target(%arg6 : memref<2048xi32, #tpu.memory_space<vmem>>) target_semaphore(%run_scoped3A : memref<!tpu.dma_semaphore, #tpu.memory_space<semaphore_mem>>)
        %dma_wait3A_88 = tpu.memref_slice %arg3[%multiple_of3A_47] : memref<163840xi32, #tpu.memory_space<hbm>> -> memref<2048xi32, #tpu.memory_space<hbm>>
        %dma_wait3A_89 = tpu.memref_slice %arg3[%multiple_of3A_47] : memref<163840xi32, #tpu.memory_space<hbm>> -> memref<2048xi32, #tpu.memory_space<hbm>>
        tpu.wait_dma2 semaphore(%run_scoped3A : memref<!tpu.dma_semaphore, #tpu.memory_space<semaphore_mem>>) src(%dma_wait3A_89 : memref<2048xi32, #tpu.memory_space<hbm>>) dst(%arg6 : memref<2048xi32, #tpu.memory_space<vmem>>)
        tpu.yield
      }) : () -> ()
      %scan3A_48 = arith.constant 0 : i32
      %scan3A_49 = arith.constant 128 : i32
      %scan3A_50 = arith.addi %scan3A_48, %scan3A_49 : i32
      %scan3A_51 = arith.constant 1 : i32
      scf.for %scan3A_86 = %scan3A_48 to %scan3A_50 step %scan3A_51  : i32 {
        %mul3A_87 = arith.constant 16 : i32
        %mul3A_88 = arith.muli %scan3A_86, %mul3A_87 : i32
        %add3A_89 = arith.constant 0 : i32
        %add3A_90 = arith.addi %add3A_89, %mul3A_88 : i32
        %get3A = arith.index_cast %add3A_90 : i32 to index
        %get3A_91 = tpu.vector_load %arg6[%get3A] {strides = array<i32>} : memref<2048xi32, #tpu.memory_space<vmem>>, vector<16xi32>,
        %mul3A_92 = arith.constant 10240 : i32
        %mul3A_93 = arith.muli %arg0, %mul3A_92 : i32
        %add3A_94 = vector.broadcast %mul3A_93 : i32 to vector<16xi32>
        %add3A_95 = arith.addi %get3A_91, %add3A_94 : vector<16xi32>
        %swap3A = arith.index_cast %add3A_90 : i32 to index
        %swap3A_96 = tpu.vector_load %arg6[%swap3A] {strides = array<i32>} : memref<2048xi32, #tpu.memory_space<vmem>>, vector<16xi32>,
        tpu.vector_store %arg6[%swap3A], %add3A_95 {strides = array<i32>} : memref<2048xi32, #tpu.memory_space<vmem>>, vector<16xi32>,
      }
      %scan3A_52 = arith.constant 128 : i32
      %dma_start3A = arith.constant 0 : i32
      %dma_start3A_53 = tpu.memref_slice %arg6[%dma_start3A] : memref<2048xi32, #tpu.memory_space<vmem>> -> memref<128xi32, #tpu.memory_space<vmem>>
      %dma_start3A_54 = arith.constant 0 : i32
      %dma_start3A_55 = arith.constant 0 : i32
      %dma_start3A_56 = tpu.memref_slice %arg2[%dma_start3A_54, %dma_start3A_55] : memref<20480x128xf32, #tpu.memory_space<hbm>> -> memref<20480x128xf32, #tpu.memory_space<hbm>>
      tpu.enqueue_indirect_dma source(%dma_start3A_56 : memref<20480x128xf32, #tpu.memory_space<hbm>>) target(%arg8 : memref<128x128xf32, #tpu.memory_space<vmem>>) offsets(%dma_start3A_53 : memref<128xi32, #tpu.memory_space<vmem>>) semaphore(%arg11 : memref<!tpu.dma_semaphore, #tpu.memory_space<semaphore_mem>>)
      %dma_start3A_57 = arith.constant 128 : i32
      %dma_start3A_58 = tpu.memref_slice %arg6[%dma_start3A_57] : memref<2048xi32, #tpu.memory_space<vmem>> -> memref<128xi32, #tpu.memory_space<vmem>>
      %dma_start3A_59 = arith.constant 0 : i32
      %dma_start3A_60 = arith.constant 0 : i32
      %dma_start3A_61 = tpu.memref_slice %arg2[%dma_start3A_59, %dma_start3A_60] : memref<20480x128xf32, #tpu.memory_space<hbm>> -> memref<20480x128xf32, #tpu.memory_space<hbm>>
      tpu.enqueue_indirect_dma source(%dma_start3A_61 : memref<20480x128xf32, #tpu.memory_space<hbm>>) target(%arg9 : memref<128x128xf32, #tpu.memory_space<vmem>>) offsets(%dma_start3A_58 : memref<128xi32, #tpu.memory_space<vmem>>) semaphore(%arg12 : memref<!tpu.dma_semaphore, #tpu.memory_space<semaphore_mem>>)
      %mul3A_62 = arith.constant 16 : i32
      %mul3A_63 = arith.muli %add3A_43, %mul3A_62 : i32
      %scan3A_64 = arith.constant 0 : i32
      %scan3A_65 = arith.constant 7 : i32
      %scan3A_66 = arith.addi %scan3A_64, %scan3A_65 : i32
      %scan3A_67 = arith.constant 1 : i32
      scf.for %scan3A_86 = %scan3A_64 to %scan3A_66 step %scan3A_67  : i32 {
        %mul3A_87 = arith.constant 2 : i32
        %mul3A_88 = arith.muli %scan3A_86, %mul3A_87 : i32
        %add3A_89 = arith.constant 0 : i32
        %add3A_90 = arith.addi %add3A_89, %mul3A_88 : i32
        %dma_wait3A_91 = arith.constant 0 : i32
        %dma_wait3A_92 = tpu.memref_slice %arg6[%dma_wait3A_91] : memref<2048xi32, #tpu.memory_space<vmem>> -> memref<128xi32, #tpu.memory_space<vmem>>
        %dma_wait3A_93 = arith.constant 0 : i32
        %dma_wait3A_94 = arith.constant 0 : i32
        %dma_wait3A_95 = tpu.memref_slice %arg2[%dma_wait3A_93, %dma_wait3A_94] : memref<20480x128xf32, #tpu.memory_space<hbm>> -> memref<20480x128xf32, #tpu.memory_space<hbm>>
        tpu.wait_indirect_dma semaphore(%arg11 : memref<!tpu.dma_semaphore, #tpu.memory_space<semaphore_mem>>) src(%dma_wait3A_95 : memref<20480x128xf32, #tpu.memory_space<hbm>>) dst(%arg8 : memref<128x128xf32, #tpu.memory_space<vmem>>)
        %add3A_96 = arith.addi %mul3A_63, %add3A_90 : i32
        "tpu.region"() ({
          %run_scoped3A = tpu.sem_alloc : memref<!tpu.dma_semaphore, #tpu.memory_space<semaphore_mem>>
          %dma_start3A_121 = arith.constant 0 : i32
          %dma_start3A_122 = tpu.memref_slice %arg7[%add3A_96, %dma_start3A_121] : memref<80x128xi32, #tpu.memory_space<vmem>> -> memref<1x128xi32, #tpu.memory_space<vmem>>
          %dma_start3A_123 = tpu.memref_squeeze %dma_start3A_122 : memref<1x128xi32, #tpu.memory_space<vmem>> -> memref<128xi32, #tpu.memory_space<vmem>>
          %dma_start3A_124 = arith.constant 0 : i32
          %dma_start3A_125 = arith.constant 0 : i32
          %dma_start3A_126 = tpu.memref_slice %arg10[%dma_start3A_124, %dma_start3A_125] : memref<10240x128xf32, #tpu.memory_space<vmem_shared>> -> memref<10240x128xf32, #tpu.memory_space<vmem_shared>>
          tpu.enqueue_indirect_dma source(%arg8 : memref<128x128xf32, #tpu.memory_space<vmem>>) target(%dma_start3A_126 : memref<10240x128xf32, #tpu.memory_space<vmem_shared>>) offsets(%dma_start3A_123 : memref<128xi32, #tpu.memory_space<vmem>>) semaphore(%run_scoped3A : memref<!tpu.dma_semaphore, #tpu.memory_space<semaphore_mem>>) {add = true}
          %dma_wait3A_127 = arith.constant 0 : i32
          %dma_wait3A_128 = tpu.memref_slice %arg7[%add3A_96, %dma_wait3A_127] : memref<80x128xi32, #tpu.memory_space<vmem>> -> memref<1x128xi32, #tpu.memory_space<vmem>>
          %dma_wait3A_129 = tpu.memref_squeeze %dma_wait3A_128 : memref<1x128xi32, #tpu.memory_space<vmem>> -> memref<128xi32, #tpu.memory_space<vmem>>
          %dma_wait3A_130 = arith.constant 0 : i32
          %dma_wait3A_131 = arith.constant 0 : i32
          %dma_wait3A_132 = tpu.memref_slice %arg10[%dma_wait3A_130, %dma_wait3A_131] : memref<10240x128xf32, #tpu.memory_space<vmem_shared>> -> memref<10240x128xf32, #tpu.memory_space<vmem_shared>>
          tpu.wait_indirect_dma semaphore(%run_scoped3A : memref<!tpu.dma_semaphore, #tpu.memory_space<semaphore_mem>>) src(%arg8 : memref<128x128xf32, #tpu.memory_space<vmem>>) dst(%dma_wait3A_132 : memref<10240x128xf32, #tpu.memory_space<vmem_shared>>)
          tpu.yield
        }) : () -> ()
        %add3A_97 = arith.constant 2 : i32
        %add3A_98 = arith.addi %add3A_90, %add3A_97 : i32
        %mul3A_99 = arith.constant 128 : i32
        %mul3A_100 = arith.muli %add3A_98, %mul3A_99 : i32
        %dma_start3A_101 = tpu.memref_slice %arg6[%mul3A_100] : memref<2048xi32, #tpu.memory_space<vmem>> -> memref<128xi32, #tpu.memory_space<vmem>>
        %dma_start3A_102 = arith.constant 0 : i32
        %dma_start3A_103 = arith.constant 0 : i32
        %dma_start3A_104 = tpu.memref_slice %arg2[%dma_start3A_102, %dma_start3A_103] : memref<20480x128xf32, #tpu.memory_space<hbm>> -> memref<20480x128xf32, #tpu.memory_space<hbm>>
        tpu.enqueue_indirect_dma source(%dma_start3A_104 : memref<20480x128xf32, #tpu.memory_space<hbm>>) target(%arg8 : memref<128x128xf32, #tpu.memory_space<vmem>>) offsets(%dma_start3A_101 : memref<128xi32, #tpu.memory_space<vmem>>) semaphore(%arg11 : memref<!tpu.dma_semaphore, #tpu.memory_space<semaphore_mem>>)
        %dma_wait3A_105 = arith.constant 0 : i32
        %dma_wait3A_106 = tpu.memref_slice %arg6[%dma_wait3A_105] : memref<2048xi32, #tpu.memory_space<vmem>> -> memref<128xi32, #tpu.memory_space<vmem>>
        %dma_wait3A_107 = arith.constant 0 : i32
        %dma_wait3A_108 = arith.constant 0 : i32
        %dma_wait3A_109 = tpu.memref_slice %arg2[%dma_wait3A_107, %dma_wait3A_108] : memref<20480x128xf32, #tpu.memory_space<hbm>> -> memref<20480x128xf32, #tpu.memory_space<hbm>>
        tpu.wait_indirect_dma semaphore(%arg12 : memref<!tpu.dma_semaphore, #tpu.memory_space<semaphore_mem>>) src(%dma_wait3A_109 : memref<20480x128xf32, #tpu.memory_space<hbm>>) dst(%arg9 : memref<128x128xf32, #tpu.memory_space<vmem>>)
        %add3A_110 = arith.addi %mul3A_63, %add3A_90 : i32
        %add3A_111 = arith.constant 1 : i32
        %add3A_112 = arith.addi %add3A_110, %add3A_111 : i32
        "tpu.region"() ({
          %run_scoped3A = tpu.sem_alloc : memref<!tpu.dma_semaphore, #tpu.memory_space<semaphore_mem>>
          %dma_start3A_121 = arith.constant 0 : i32
          %dma_start3A_122 = tpu.memref_slice %arg7[%add3A_112, %dma_start3A_121] : memref<80x128xi32, #tpu.memory_space<vmem>> -> memref<1x128xi32, #tpu.memory_space<vmem>>
          %dma_start3A_123 = tpu.memref_squeeze %dma_start3A_122 : memref<1x128xi32, #tpu.memory_space<vmem>> -> memref<128xi32, #tpu.memory_space<vmem>>
          %dma_start3A_124 = arith.constant 0 : i32
          %dma_start3A_125 = arith.constant 0 : i32
          %dma_start3A_126 = tpu.memref_slice %arg10[%dma_start3A_124, %dma_start3A_125] : memref<10240x128xf32, #tpu.memory_space<vmem_shared>> -> memref<10240x128xf32, #tpu.memory_space<vmem_shared>>
          tpu.enqueue_indirect_dma source(%arg9 : memref<128x128xf32, #tpu.memory_space<vmem>>) target(%dma_start3A_126 : memref<10240x128xf32, #tpu.memory_space<vmem_shared>>) offsets(%dma_start3A_123 : memref<128xi32, #tpu.memory_space<vmem>>) semaphore(%run_scoped3A : memref<!tpu.dma_semaphore, #tpu.memory_space<semaphore_mem>>) {add = true}
          %dma_wait3A_127 = arith.constant 0 : i32
          %dma_wait3A_128 = tpu.memref_slice %arg7[%add3A_112, %dma_wait3A_127] : memref<80x128xi32, #tpu.memory_space<vmem>> -> memref<1x128xi32, #tpu.memory_space<vmem>>
          %dma_wait3A_129 = tpu.memref_squeeze %dma_wait3A_128 : memref<1x128xi32, #tpu.memory_space<vmem>> -> memref<128xi32, #tpu.memory_space<vmem>>
          %dma_wait3A_130 = arith.constant 0 : i32
          %dma_wait3A_131 = arith.constant 0 : i32
          %dma_wait3A_132 = tpu.memref_slice %arg10[%dma_wait3A_130, %dma_wait3A_131] : memref<10240x128xf32, #tpu.memory_space<vmem_shared>> -> memref<10240x128xf32, #tpu.memory_space<vmem_shared>>
          tpu.wait_indirect_dma semaphore(%run_scoped3A : memref<!tpu.dma_semaphore, #tpu.memory_space<semaphore_mem>>) src(%arg9 : memref<128x128xf32, #tpu.memory_space<vmem>>) dst(%dma_wait3A_132 : memref<10240x128xf32, #tpu.memory_space<vmem_shared>>)
          tpu.yield
        }) : () -> ()
        %add3A_113 = arith.constant 3 : i32
        %add3A_114 = arith.addi %add3A_90, %add3A_113 : i32
        %mul3A_115 = arith.constant 128 : i32
        %mul3A_116 = arith.muli %add3A_114, %mul3A_115 : i32
        %dma_start3A_117 = tpu.memref_slice %arg6[%mul3A_116] : memref<2048xi32, #tpu.memory_space<vmem>> -> memref<128xi32, #tpu.memory_space<vmem>>
        %dma_start3A_118 = arith.constant 0 : i32
        %dma_start3A_119 = arith.constant 0 : i32
        %dma_start3A_120 = tpu.memref_slice %arg2[%dma_start3A_118, %dma_start3A_119] : memref<20480x128xf32, #tpu.memory_space<hbm>> -> memref<20480x128xf32, #tpu.memory_space<hbm>>
        tpu.enqueue_indirect_dma source(%dma_start3A_120 : memref<20480x128xf32, #tpu.memory_space<hbm>>) target(%arg9 : memref<128x128xf32, #tpu.memory_space<vmem>>) offsets(%dma_start3A_117 : memref<128xi32, #tpu.memory_space<vmem>>) semaphore(%arg12 : memref<!tpu.dma_semaphore, #tpu.memory_space<semaphore_mem>>)
      }
      %scan3A_68 = arith.constant 7 : i32
      %dma_wait3A = arith.constant 0 : i32
      %dma_wait3A_69 = tpu.memref_slice %arg6[%dma_wait3A] : memref<2048xi32, #tpu.memory_space<vmem>> -> memref<128xi32, #tpu.memory_space<vmem>>
      %dma_wait3A_70 = arith.constant 0 : i32
      %dma_wait3A_71 = arith.constant 0 : i32
      %dma_wait3A_72 = tpu.memref_slice %arg2[%dma_wait3A_70, %dma_wait3A_71] : memref<20480x128xf32, #tpu.memory_space<hbm>> -> memref<20480x128xf32, #tpu.memory_space<hbm>>
      tpu.wait_indirect_dma semaphore(%arg11 : memref<!tpu.dma_semaphore, #tpu.memory_space<semaphore_mem>>) src(%dma_wait3A_72 : memref<20480x128xf32, #tpu.memory_space<hbm>>) dst(%arg8 : memref<128x128xf32, #tpu.memory_space<vmem>>)
      %add3A_73 = arith.constant 16 : i32
      %add3A_74 = arith.addi %mul3A_63, %add3A_73 : i32
      %sub3A_75 = arith.constant 2 : i32
      %sub3A_76 = arith.subi %add3A_74, %sub3A_75 : i32
      "tpu.region"() ({
        %run_scoped3A = tpu.sem_alloc : memref<!tpu.dma_semaphore, #tpu.memory_space<semaphore_mem>>
        %dma_start3A_86 = arith.constant 0 : i32
        %dma_start3A_87 = tpu.memref_slice %arg7[%sub3A_76, %dma_start3A_86] : memref<80x128xi32, #tpu.memory_space<vmem>> -> memref<1x128xi32, #tpu.memory_space<vmem>>
        %dma_start3A_88 = tpu.memref_squeeze %dma_start3A_87 : memref<1x128xi32, #tpu.memory_space<vmem>> -> memref<128xi32, #tpu.memory_space<vmem>>
        %dma_start3A_89 = arith.constant 0 : i32
        %dma_start3A_90 = arith.constant 0 : i32
        %dma_start3A_91 = tpu.memref_slice %arg10[%dma_start3A_89, %dma_start3A_90] : memref<10240x128xf32, #tpu.memory_space<vmem_shared>> -> memref<10240x128xf32, #tpu.memory_space<vmem_shared>>
        tpu.enqueue_indirect_dma source(%arg8 : memref<128x128xf32, #tpu.memory_space<vmem>>) target(%dma_start3A_91 : memref<10240x128xf32, #tpu.memory_space<vmem_shared>>) offsets(%dma_start3A_88 : memref<128xi32, #tpu.memory_space<vmem>>) semaphore(%run_scoped3A : memref<!tpu.dma_semaphore, #tpu.memory_space<semaphore_mem>>) {add = true}
        %dma_wait3A_92 = arith.constant 0 : i32
        %dma_wait3A_93 = tpu.memref_slice %arg7[%sub3A_76, %dma_wait3A_92] : memref<80x128xi32, #tpu.memory_space<vmem>> -> memref<1x128xi32, #tpu.memory_space<vmem>>
        %dma_wait3A_94 = tpu.memref_squeeze %dma_wait3A_93 : memref<1x128xi32, #tpu.memory_space<vmem>> -> memref<128xi32, #tpu.memory_space<vmem>>
        %dma_wait3A_95 = arith.constant 0 : i32
        %dma_wait3A_96 = arith.constant 0 : i32
        %dma_wait3A_97 = tpu.memref_slice %arg10[%dma_wait3A_95, %dma_wait3A_96] : memref<10240x128xf32, #tpu.memory_space<vmem_shared>> -> memref<10240x128xf32, #tpu.memory_space<vmem_shared>>
        tpu.wait_indirect_dma semaphore(%run_scoped3A : memref<!tpu.dma_semaphore, #tpu.memory_space<semaphore_mem>>) src(%arg8 : memref<128x128xf32, #tpu.memory_space<vmem>>) dst(%dma_wait3A_97 : memref<10240x128xf32, #tpu.memory_space<vmem_shared>>)
        tpu.yield
      }) : () -> ()
      %dma_wait3A_77 = arith.constant 0 : i32
      %dma_wait3A_78 = tpu.memref_slice %arg6[%dma_wait3A_77] : memref<2048xi32, #tpu.memory_space<vmem>> -> memref<128xi32, #tpu.memory_space<vmem>>
      %dma_wait3A_79 = arith.constant 0 : i32
      %dma_wait3A_80 = arith.constant 0 : i32
      %dma_wait3A_81 = tpu.memref_slice %arg2[%dma_wait3A_79, %dma_wait3A_80] : memref<20480x128xf32, #tpu.memory_space<hbm>> -> memref<20480x128xf32, #tpu.memory_space<hbm>>
      tpu.wait_indirect_dma semaphore(%arg12 : memref<!tpu.dma_semaphore, #tpu.memory_space<semaphore_mem>>) src(%dma_wait3A_81 : memref<20480x128xf32, #tpu.memory_space<hbm>>) dst(%arg9 : memref<128x128xf32, #tpu.memory_space<vmem>>)
      %add3A_82 = arith.constant 16 : i32
      %add3A_83 = arith.addi %mul3A_63, %add3A_82 : i32
      %sub3A_84 = arith.constant 1 : i32
      %sub3A_85 = arith.subi %add3A_83, %sub3A_84 : i32
      "tpu.region"() ({
        %run_scoped3A = tpu.sem_alloc : memref<!tpu.dma_semaphore, #tpu.memory_space<semaphore_mem>>
        %dma_start3A_86 = arith.constant 0 : i32
        %dma_start3A_87 = tpu.memref_slice %arg7[%sub3A_85, %dma_start3A_86] : memref<80x128xi32, #tpu.memory_space<vmem>> -> memref<1x128xi32, #tpu.memory_space<vmem>>
        %dma_start3A_88 = tpu.memref_squeeze %dma_start3A_87 : memref<1x128xi32, #tpu.memory_space<vmem>> -> memref<128xi32, #tpu.memory_space<vmem>>
        %dma_start3A_89 = arith.constant 0 : i32
        %dma_start3A_90 = arith.constant 0 : i32
        %dma_start3A_91 = tpu.memref_slice %arg10[%dma_start3A_89, %dma_start3A_90] : memref<10240x128xf32, #tpu.memory_space<vmem_shared>> -> memref<10240x128xf32, #tpu.memory_space<vmem_shared>>
        tpu.enqueue_indirect_dma source(%arg9 : memref<128x128xf32, #tpu.memory_space<vmem>>) target(%dma_start3A_91 : memref<10240x128xf32, #tpu.memory_space<vmem_shared>>) offsets(%dma_start3A_88 : memref<128xi32, #tpu.memory_space<vmem>>) semaphore(%run_scoped3A : memref<!tpu.dma_semaphore, #tpu.memory_space<semaphore_mem>>) {add = true}
        %dma_wait3A_92 = arith.constant 0 : i32
        %dma_wait3A_93 = tpu.memref_slice %arg7[%sub3A_85, %dma_wait3A_92] : memref<80x128xi32, #tpu.memory_space<vmem>> -> memref<1x128xi32, #tpu.memory_space<vmem>>
        %dma_wait3A_94 = tpu.memref_squeeze %dma_wait3A_93 : memref<1x128xi32, #tpu.memory_space<vmem>> -> memref<128xi32, #tpu.memory_space<vmem>>
        %dma_wait3A_95 = arith.constant 0 : i32
        %dma_wait3A_96 = arith.constant 0 : i32
        %dma_wait3A_97 = tpu.memref_slice %arg10[%dma_wait3A_95, %dma_wait3A_96] : memref<10240x128xf32, #tpu.memory_space<vmem_shared>> -> memref<10240x128xf32, #tpu.memory_space<vmem_shared>>
        tpu.wait_indirect_dma semaphore(%run_scoped3A : memref<!tpu.dma_semaphore, #tpu.memory_space<semaphore_mem>>) src(%arg9 : memref<128x128xf32, #tpu.memory_space<vmem>>) dst(%dma_wait3A_97 : memref<10240x128xf32, #tpu.memory_space<vmem_shared>>)
        tpu.yield
      }) : () -> ()
    }
    %scan3A_28 = arith.constant 5 : i32
    %barrier3A_29 = arith.constant 0 : index
    tpu.barrier barrier_id(%barrier3A_29)
    %mul3A_30 = arith.constant 640 : i32
    %mul3A_31 = arith.muli %arg1, %mul3A_30 : i32
    %multiple_of3A_32 = tpu.assume_multiple %mul3A_31, 128 : i32
    %mul3A_33 = arith.constant 10240 : i32
    %mul3A_34 = arith.muli %arg0, %mul3A_33 : i32
    %mul3A_35 = arith.constant 640 : i32
    %mul3A_36 = arith.muli %arg1, %mul3A_35 : i32
    %add3A_37 = arith.addi %mul3A_34, %mul3A_36 : i32
    %multiple_of3A_38 = tpu.assume_multiple %add3A_37, 128 : i32
    "tpu.region"() ({
      %run_scoped3A = tpu.sem_alloc : memref<!tpu.dma_semaphore, #tpu.memory_space<semaphore_mem>>
      %dma_start3A = arith.constant 0 : i32
      %dma_start3A_39 = tpu.memref_slice %arg5[%multiple_of3A_38, %dma_start3A] : memref<20480x128xf32, #tpu.memory_space<hbm>> -> memref<640x128xf32, #tpu.memory_space<hbm>>
      %dma_start3A_40 = arith.constant 0 : i32
      %dma_start3A_41 = tpu.memref_slice %arg10[%multiple_of3A_32, %dma_start3A_40] : memref<10240x128xf32, #tpu.memory_space<vmem_shared>> -> memref<640x128xf32, #tpu.memory_space<vmem_shared>>
      tpu.enqueue_dma source(%dma_start3A_41 : memref<640x128xf32, #tpu.memory_space<vmem_shared>>) target(%dma_start3A_39 : memref<640x128xf32, #tpu.memory_space<hbm>>) target_semaphore(%run_scoped3A : memref<!tpu.dma_semaphore, #tpu.memory_space<semaphore_mem>>)
      %dma_wait3A = arith.constant 0 : i32
      %dma_wait3A_42 = tpu.memref_slice %arg5[%multiple_of3A_38, %dma_wait3A] : memref<20480x128xf32, #tpu.memory_space<hbm>> -> memref<640x128xf32, #tpu.memory_space<hbm>>
      %dma_wait3A_43 = arith.constant 0 : i32
      %dma_wait3A_44 = tpu.memref_slice %arg10[%multiple_of3A_32, %dma_wait3A_43] : memref<10240x128xf32, #tpu.memory_space<vmem_shared>> -> memref<640x128xf32, #tpu.memory_space<vmem_shared>>
      tpu.wait_dma2 semaphore(%run_scoped3A : memref<!tpu.dma_semaphore, #tpu.memory_space<semaphore_mem>>) src(%dma_wait3A_44 : memref<640x128xf32, #tpu.memory_space<vmem_shared>>) dst(%dma_wait3A_42 : memref<640x128xf32, #tpu.memory_space<hbm>>)
      tpu.yield
    }) : () -> ()
    return
  }
}

#map = affine_map<(d0, d1) -> (0)>
module attributes {stable_mosaic.version = 14 : i64} {
  func.func @_deg_kernel(%arg0: i32, %arg1: i32, %arg2: memref<163840xi32, #tpu.memory_space<hbm>>, %arg3: memref<327680xf32, #tpu.memory_space<hbm>>, %arg4: memref<10240xf32, #tpu.memory_space<vmem>>, %arg5: memref<5120xi32, #tpu.memory_space<vmem>>) attributes {dimension_semantics = [#tpu.dimension_semantics<core_parallel>, #tpu.dimension_semantics<subcore_parallel>], iteration_bounds = array<i64: 2, 16>, scalar_prefetch = 0 : i64, scratch_operands = 2 : i64, tpu.core_type = #tpu.core_type<sc_vector_subcore>, window_params = [{transform_indices = #map}, {transform_indices = #map}]} {
    %mul3A = arith.constant 2 : i32
    %mul3A_0 = arith.muli %arg1, %mul3A : i32
    %add3A = arith.addi %mul3A_0, %arg0 : i32
    %mul3A_1 = arith.constant 5120 : i32
    %mul3A_2 = arith.muli %add3A, %mul3A_1 : i32
    %multiple_of3A = tpu.assume_multiple %mul3A_2, 5120 : i32
    "tpu.region"() ({
      %run_scoped3A = tpu.sem_alloc : memref<!tpu.dma_semaphore, #tpu.memory_space<semaphore_mem>>
      %dma_start3A = tpu.memref_slice %arg2[%multiple_of3A] : memref<163840xi32, #tpu.memory_space<hbm>> -> memref<5120xi32, #tpu.memory_space<hbm>>
      %dma_start3A_18 = tpu.memref_slice %arg2[%multiple_of3A] : memref<163840xi32, #tpu.memory_space<hbm>> -> memref<5120xi32, #tpu.memory_space<hbm>>
      tpu.enqueue_dma source(%dma_start3A_18 : memref<5120xi32, #tpu.memory_space<hbm>>) target(%arg5 : memref<5120xi32, #tpu.memory_space<vmem>>) target_semaphore(%run_scoped3A : memref<!tpu.dma_semaphore, #tpu.memory_space<semaphore_mem>>)
      %dma_wait3A = tpu.memref_slice %arg2[%multiple_of3A] : memref<163840xi32, #tpu.memory_space<hbm>> -> memref<5120xi32, #tpu.memory_space<hbm>>
      %dma_wait3A_19 = tpu.memref_slice %arg2[%multiple_of3A] : memref<163840xi32, #tpu.memory_space<hbm>> -> memref<5120xi32, #tpu.memory_space<hbm>>
      tpu.wait_dma2 semaphore(%run_scoped3A : memref<!tpu.dma_semaphore, #tpu.memory_space<semaphore_mem>>) src(%dma_wait3A_19 : memref<5120xi32, #tpu.memory_space<hbm>>) dst(%arg5 : memref<5120xi32, #tpu.memory_space<vmem>>)
      tpu.yield
    }) : () -> ()
    %broadcast_in_dim3A = arith.constant 0.000000e+00 : f32
    %broadcast_in_dim3A_3 = vector.broadcast %broadcast_in_dim3A : f32 to vector<16xf32>
    %scan3A = arith.constant 0 : i32
    %scan3A_4 = arith.constant 640 : i32
    %scan3A_5 = arith.addi %scan3A, %scan3A_4 : i32
    %scan3A_6 = arith.constant 1 : i32
    scf.for %scan3A_18 = %scan3A to %scan3A_5 step %scan3A_6  : i32 {
      %mul3A_19 = arith.constant 16 : i32
      %mul3A_20 = arith.muli %scan3A_18, %mul3A_19 : i32
      %add3A_21 = arith.constant 0 : i32
      %add3A_22 = arith.addi %add3A_21, %mul3A_20 : i32
      %swap3A = arith.index_cast %add3A_22 : i32 to index
      %swap3A_23 = tpu.vector_load %arg4[%swap3A] {strides = array<i32>} : memref<10240xf32, #tpu.memory_space<vmem>>, vector<16xf32>,
      tpu.vector_store %arg4[%swap3A], %broadcast_in_dim3A_3 {strides = array<i32>} : memref<10240xf32, #tpu.memory_space<vmem>>, vector<16xf32>,
    }
    %scan3A_7 = arith.constant 640 : i32
    %broadcast_in_dim3A_8 = arith.constant 1.000000e+00 : f32
    %broadcast_in_dim3A_9 = vector.broadcast %broadcast_in_dim3A_8 : f32 to vector<16xf32>
    %scan3A_10 = arith.constant 0 : i32
    %scan3A_11 = arith.constant 320 : i32
    %scan3A_12 = arith.addi %scan3A_10, %scan3A_11 : i32
    %scan3A_13 = arith.constant 1 : i32
    scf.for %scan3A_18 = %scan3A_10 to %scan3A_12 step %scan3A_13  : i32 {
      %mul3A_19 = arith.constant 16 : i32
      %mul3A_20 = arith.muli %scan3A_18, %mul3A_19 : i32
      %add3A_21 = arith.constant 0 : i32
      %add3A_22 = arith.addi %add3A_21, %mul3A_20 : i32
      %get3A = arith.index_cast %add3A_22 : i32 to index
      %get3A_23 = tpu.vector_load %arg5[%get3A] {strides = array<i32>} : memref<5120xi32, #tpu.memory_space<vmem>>, vector<16xi32>,
      tpu.vector_store_idx %arg4[%get3A_23], %broadcast_in_dim3A_9 {add = true} : memref<10240xf32, #tpu.memory_space<vmem>>[vector<16xi32>], vector<16xf32>,
    }
    %scan3A_14 = arith.constant 320 : i32
    %mul3A_15 = arith.constant 10240 : i32
    %mul3A_16 = arith.muli %add3A, %mul3A_15 : i32
    %multiple_of3A_17 = tpu.assume_multiple %mul3A_16, 10240 : i32
    "tpu.region"() ({
      %run_scoped3A = tpu.sem_alloc : memref<!tpu.dma_semaphore, #tpu.memory_space<semaphore_mem>>
      %dma_start3A = tpu.memref_slice %arg3[%multiple_of3A_17] : memref<327680xf32, #tpu.memory_space<hbm>> -> memref<10240xf32, #tpu.memory_space<hbm>>
      %dma_start3A_18 = tpu.memref_slice %arg3[%multiple_of3A_17] : memref<327680xf32, #tpu.memory_space<hbm>> -> memref<10240xf32, #tpu.memory_space<hbm>>
      tpu.enqueue_dma source(%arg4 : memref<10240xf32, #tpu.memory_space<vmem>>) target(%dma_start3A_18 : memref<10240xf32, #tpu.memory_space<hbm>>) target_semaphore(%run_scoped3A : memref<!tpu.dma_semaphore, #tpu.memory_space<semaphore_mem>>)
      %dma_wait3A = tpu.memref_slice %arg3[%multiple_of3A_17] : memref<327680xf32, #tpu.memory_space<hbm>> -> memref<10240xf32, #tpu.memory_space<hbm>>
      %dma_wait3A_19 = tpu.memref_slice %arg3[%multiple_of3A_17] : memref<327680xf32, #tpu.memory_space<hbm>> -> memref<10240xf32, #tpu.memory_space<hbm>>
      tpu.wait_dma2 semaphore(%run_scoped3A : memref<!tpu.dma_semaphore, #tpu.memory_space<semaphore_mem>>) src(%arg4 : memref<10240xf32, #tpu.memory_space<vmem>>) dst(%dma_wait3A_19 : memref<10240xf32, #tpu.memory_space<hbm>>)
      tpu.yield
    }) : () -> ()
    return
  }
}

#map = affine_map<(d0, d1) -> (0, 0)>
#map1 = affine_map<(d0, d1) -> (0)>
module attributes {stable_mosaic.version = 14 : i64} {
  func.func @prop(%arg0: i32, %arg1: i32, %arg2: memref<10240x128xf32, #tpu.memory_space<hbm>>, %arg3: memref<163840xi32, #tpu.memory_space<hbm>>, %arg4: memref<1280x128xi32, #tpu.memory_space<hbm>>, %arg5: memref<20480x128xf32, #tpu.memory_space<hbm>>, %arg6: memref<1280xi32, #tpu.memory_space<vmem>>, %arg7: memref<40x128xi32, #tpu.memory_space<vmem>>, %arg8: memref<128x128xf32, #tpu.memory_space<vmem>>, %arg9: memref<128x128xf32, #tpu.memory_space<vmem>>, %arg10: memref<10240x128xf32, #tpu.memory_space<vmem_shared>>, %arg11: memref<!tpu.dma_semaphore, #tpu.memory_space<semaphore_mem>>, %arg12: memref<!tpu.dma_semaphore, #tpu.memory_space<semaphore_mem>>) attributes {dimension_semantics = [#tpu.dimension_semantics<core_parallel>, #tpu.dimension_semantics<subcore_parallel>], iteration_bounds = array<i64: 2, 16>, scalar_prefetch = 0 : i64, scratch_operands = 7 : i64, tpu.core_type = #tpu.core_type<sc_vector_subcore>, window_params = [{transform_indices = #map}, {transform_indices = #map1}, {transform_indices = #map}, {transform_indices = #map}]} {
    %mul3A = arith.constant 2 : i32
    %mul3A_0 = arith.muli %arg1, %mul3A : i32
    %add3A = arith.addi %mul3A_0, %arg0 : i32
    %mul3A_1 = arith.constant 5120 : i32
    %mul3A_2 = arith.muli %add3A, %mul3A_1 : i32
    %jit3A = arith.constant 128 : i32
    %div3A = arith.divsi %mul3A_2, %jit3A : i32
    %sign3A = arith.constant 0 : i32
    %sign3A_3 = arith.cmpi sgt, %mul3A_2, %sign3A : i32
    %sign3A_4 = arith.extui %sign3A_3 : i1 to i32
    %sign3A_5 = arith.constant 0 : i32
    %sign3A_6 = arith.cmpi slt, %mul3A_2, %sign3A_5 : i32
    %sign3A_7 = arith.extui %sign3A_6 : i1 to i32
    %sign3A_8 = arith.subi %sign3A_4, %sign3A_7 : i32
    %sign3A_9 = arith.constant 0 : i32
    %sign3A_10 = arith.cmpi sgt, %jit3A, %sign3A_9 : i32
    %sign3A_11 = arith.extui %sign3A_10 : i1 to i32
    %sign3A_12 = arith.constant 0 : i32
    %sign3A_13 = arith.cmpi slt, %jit3A, %sign3A_12 : i32
    %sign3A_14 = arith.extui %sign3A_13 : i1 to i32
    %sign3A_15 = arith.subi %sign3A_11, %sign3A_14 : i32
    %ne3A = arith.cmpi ne, %sign3A_8, %sign3A_15 : i32
    %rem3A = arith.remsi %mul3A_2, %jit3A : i32
    %ne3A_16 = arith.constant 0 : i32
    %ne3A_17 = arith.cmpi ne, %rem3A, %ne3A_16 : i32
    %and3A = arith.andi %ne3A, %ne3A_17 : i1
    %sub3A = arith.constant 1 : i32
    %sub3A_18 = arith.subi %div3A, %sub3A : i32
    %select_n3A = arith.select %and3A, %sub3A_18, %div3A : i32
    %multiple_of3A = tpu.assume_multiple %select_n3A, 8 : i32
    "tpu.region"() ({
      %run_scoped3A = tpu.sem_alloc : memref<!tpu.dma_semaphore, #tpu.memory_space<semaphore_mem>>
      %dma_start3A = arith.constant 0 : i32
      %dma_start3A_43 = tpu.memref_slice %arg4[%multiple_of3A, %dma_start3A] : memref<1280x128xi32, #tpu.memory_space<hbm>> -> memref<40x128xi32, #tpu.memory_space<hbm>>
      %dma_start3A_44 = arith.constant 0 : i32
      %dma_start3A_45 = tpu.memref_slice %arg4[%multiple_of3A, %dma_start3A_44] : memref<1280x128xi32, #tpu.memory_space<hbm>> -> memref<40x128xi32, #tpu.memory_space<hbm>>
      tpu.enqueue_dma source(%dma_start3A_45 : memref<40x128xi32, #tpu.memory_space<hbm>>) target(%arg7 : memref<40x128xi32, #tpu.memory_space<vmem>>) target_semaphore(%run_scoped3A : memref<!tpu.dma_semaphore, #tpu.memory_space<semaphore_mem>>)
      %dma_wait3A = arith.constant 0 : i32
      %dma_wait3A_46 = tpu.memref_slice %arg4[%multiple_of3A, %dma_wait3A] : memref<1280x128xi32, #tpu.memory_space<hbm>> -> memref<40x128xi32, #tpu.memory_space<hbm>>
      %dma_wait3A_47 = arith.constant 0 : i32
      %dma_wait3A_48 = tpu.memref_slice %arg4[%multiple_of3A, %dma_wait3A_47] : memref<1280x128xi32, #tpu.memory_space<hbm>> -> memref<40x128xi32, #tpu.memory_space<hbm>>
      tpu.wait_dma2 semaphore(%run_scoped3A : memref<!tpu.dma_semaphore, #tpu.memory_space<semaphore_mem>>) src(%dma_wait3A_48 : memref<40x128xi32, #tpu.memory_space<hbm>>) dst(%arg7 : memref<40x128xi32, #tpu.memory_space<vmem>>)
      tpu.yield
    }) : () -> ()
    %mul3A_19 = arith.constant 640 : i32
    %mul3A_20 = arith.muli %arg1, %mul3A_19 : i32
    %multiple_of3A_21 = tpu.assume_multiple %mul3A_20, 128 : i32
    %eq3A = arith.constant 0 : i32
    %eq3A_22 = arith.cmpi eq, %arg0, %eq3A : i32
    %convert_element_type3A = arith.extui %eq3A_22 : i1 to i32
    %cond3A = arith.constant 0 : i32
    %cond3A_23 = arith.cmpi ne, %convert_element_type3A, %cond3A : i32
    scf.if %cond3A_23 {
      %mul3A_43 = arith.constant 640 : i32
      %mul3A_44 = arith.muli %arg1, %mul3A_43 : i32
      %multiple_of3A_45 = tpu.assume_multiple %mul3A_44, 128 : i32
      "tpu.region"() ({
        %run_scoped3A = tpu.sem_alloc : memref<!tpu.dma_semaphore, #tpu.memory_space<semaphore_mem>>
        %dma_start3A = arith.constant 0 : i32
        %dma_start3A_46 = tpu.memref_slice %arg10[%multiple_of3A_21, %dma_start3A] : memref<10240x128xf32, #tpu.memory_space<vmem_shared>> -> memref<640x128xf32, #tpu.memory_space<vmem_shared>>
        %dma_start3A_47 = arith.constant 0 : i32
        %dma_start3A_48 = tpu.memref_slice %arg2[%multiple_of3A_45, %dma_start3A_47] : memref<10240x128xf32, #tpu.memory_space<hbm>> -> memref<640x128xf32, #tpu.memory_space<hbm>>
        tpu.enqueue_dma source(%dma_start3A_48 : memref<640x128xf32, #tpu.memory_space<hbm>>) target(%dma_start3A_46 : memref<640x128xf32, #tpu.memory_space<vmem_shared>>) target_semaphore(%run_scoped3A : memref<!tpu.dma_semaphore, #tpu.memory_space<semaphore_mem>>)
        %dma_wait3A = arith.constant 0 : i32
        %dma_wait3A_49 = tpu.memref_slice %arg10[%multiple_of3A_21, %dma_wait3A] : memref<10240x128xf32, #tpu.memory_space<vmem_shared>> -> memref<640x128xf32, #tpu.memory_space<vmem_shared>>
        %dma_wait3A_50 = arith.constant 0 : i32
        %dma_wait3A_51 = tpu.memref_slice %arg2[%multiple_of3A_45, %dma_wait3A_50] : memref<10240x128xf32, #tpu.memory_space<hbm>> -> memref<640x128xf32, #tpu.memory_space<hbm>>
        tpu.wait_dma2 semaphore(%run_scoped3A : memref<!tpu.dma_semaphore, #tpu.memory_space<semaphore_mem>>) src(%dma_wait3A_51 : memref<640x128xf32, #tpu.memory_space<hbm>>) dst(%dma_wait3A_49 : memref<640x128xf32, #tpu.memory_space<vmem_shared>>)
        tpu.yield
      }) : () -> ()
    } else {
    }
    %ne3A_24 = arith.constant 0 : i32
    %ne3A_25 = arith.cmpi ne, %arg0, %ne3A_24 : i32
    %convert_element_type3A_26 = arith.extui %ne3A_25 : i1 to i32
    %cond3A_27 = arith.constant 0 : i32
    %cond3A_28 = arith.cmpi ne, %convert_element_type3A_26, %cond3A_27 : i32
    scf.if %cond3A_28 {
      %broadcast_in_dim3A = arith.constant 0.000000e+00 : f32
      %broadcast_in_dim3A_43 = vector.broadcast %broadcast_in_dim3A : f32 to vector<16xf32>
      %scan3A_44 = arith.constant 0 : i32
      %scan3A_45 = arith.constant 128 : i32
      %scan3A_46 = arith.addi %scan3A_44, %scan3A_45 : i32
      %scan3A_47 = arith.constant 1 : i32
      scf.for %scan3A_54 = %scan3A_44 to %scan3A_46 step %scan3A_47  : i32 {
        %mul3A_55 = arith.constant 1 : i32
        %mul3A_56 = arith.muli %scan3A_54, %mul3A_55 : i32
        %add3A_57 = arith.constant 0 : i32
        %add3A_58 = arith.addi %add3A_57, %mul3A_56 : i32
        %scan3A_59 = arith.constant 0 : i32
        %scan3A_60 = arith.constant 8 : i32
        %scan3A_61 = arith.addi %scan3A_59, %scan3A_60 : i32
        %scan3A_62 = arith.constant 1 : i32
        scf.for %scan3A_64 = %scan3A_59 to %scan3A_61 step %scan3A_62  : i32 {
          %mul3A_65 = arith.constant 16 : i32
          %mul3A_66 = arith.muli %scan3A_64, %mul3A_65 : i32
          %add3A_67 = arith.constant 0 : i32
          %add3A_68 = arith.addi %add3A_67, %mul3A_66 : i32
          %swap3A = arith.index_cast %add3A_58 : i32 to index
          %swap3A_69 = arith.index_cast %add3A_68 : i32 to index
          %swap3A_70 = tpu.vector_load %arg8[%swap3A, %swap3A_69] {strides = array<i32>} : memref<128x128xf32, #tpu.memory_space<vmem>>, vector<16xf32>,
          tpu.vector_store %arg8[%swap3A, %swap3A_69], %broadcast_in_dim3A_43 {strides = array<i32>} : memref<128x128xf32, #tpu.memory_space<vmem>>, vector<16xf32>,
        }
        %scan3A_63 = arith.constant 8 : i32
      }
      %scan3A_48 = arith.constant 128 : i32
      %scan3A_49 = arith.constant 0 : i32
      %scan3A_50 = arith.constant 5 : i32
      %scan3A_51 = arith.addi %scan3A_49, %scan3A_50 : i32
      %scan3A_52 = arith.constant 1 : i32
      scf.for %scan3A_54 = %scan3A_49 to %scan3A_51 step %scan3A_52  : i32 {
        %mul3A_55 = arith.constant 128 : i32
        %mul3A_56 = arith.muli %scan3A_54, %mul3A_55 : i32
        %add3A_57 = arith.constant 0 : i32
        %add3A_58 = arith.addi %add3A_57, %mul3A_56 : i32
        %mul3A_59 = arith.constant 640 : i32
        %mul3A_60 = arith.muli %arg1, %mul3A_59 : i32
        %add3A_61 = arith.addi %mul3A_60, %add3A_58 : i32
        %multiple_of3A_62 = tpu.assume_multiple %add3A_61, 128 : i32
        "tpu.region"() ({
          %run_scoped3A = tpu.sem_alloc : memref<!tpu.dma_semaphore, #tpu.memory_space<semaphore_mem>>
          %dma_start3A = arith.constant 0 : i32
          %dma_start3A_63 = tpu.memref_slice %arg10[%multiple_of3A_62, %dma_start3A] : memref<10240x128xf32, #tpu.memory_space<vmem_shared>> -> memref<128x128xf32, #tpu.memory_space<vmem_shared>>
          %dma_start3A_64 = arith.constant 0 : i32
          %dma_start3A_65 = tpu.memref_slice %arg10[%multiple_of3A_62, %dma_start3A_64] : memref<10240x128xf32, #tpu.memory_space<vmem_shared>> -> memref<128x128xf32, #tpu.memory_space<vmem_shared>>
          tpu.enqueue_dma source(%arg8 : memref<128x128xf32, #tpu.memory_space<vmem>>) target(%dma_start3A_65 : memref<128x128xf32, #tpu.memory_space<vmem_shared>>) target_semaphore(%run_scoped3A : memref<!tpu.dma_semaphore, #tpu.memory_space<semaphore_mem>>)
          %dma_wait3A = arith.constant 0 : i32
          %dma_wait3A_66 = tpu.memref_slice %arg10[%multiple_of3A_62, %dma_wait3A] : memref<10240x128xf32, #tpu.memory_space<vmem_shared>> -> memref<128x128xf32, #tpu.memory_space<vmem_shared>>
          %dma_wait3A_67 = arith.constant 0 : i32
          %dma_wait3A_68 = tpu.memref_slice %arg10[%multiple_of3A_62, %dma_wait3A_67] : memref<10240x128xf32, #tpu.memory_space<vmem_shared>> -> memref<128x128xf32, #tpu.memory_space<vmem_shared>>
          tpu.wait_dma2 semaphore(%run_scoped3A : memref<!tpu.dma_semaphore, #tpu.memory_space<semaphore_mem>>) src(%arg8 : memref<128x128xf32, #tpu.memory_space<vmem>>) dst(%dma_wait3A_68 : memref<128x128xf32, #tpu.memory_space<vmem_shared>>)
          tpu.yield
        }) : () -> ()
      }
      %scan3A_53 = arith.constant 5 : i32
    } else {
    }
    %barrier3A = arith.constant 0 : index
    tpu.barrier barrier_id(%barrier3A)
    %scan3A = arith.constant 0 : i32
    %scan3A_29 = arith.constant 4 : i32
    %scan3A_30 = arith.addi %scan3A, %scan3A_29 : i32
    %scan3A_31 = arith.constant 1 : i32
    scf.for %scan3A_43 = %scan3A to %scan3A_30 step %scan3A_31  : i32 {
      %mul3A_44 = arith.constant 1 : i32
      %mul3A_45 = arith.muli %scan3A_43, %mul3A_44 : i32
      %add3A_46 = arith.constant 0 : i32
      %add3A_47 = arith.addi %add3A_46, %mul3A_45 : i32
      %mul3A_48 = arith.constant 1280 : i32
      %mul3A_49 = arith.muli %add3A_47, %mul3A_48 : i32
      %add3A_50 = arith.addi %mul3A_2, %mul3A_49 : i32
      %multiple_of3A_51 = tpu.assume_multiple %add3A_50, 128 : i32
      "tpu.region"() ({
        %run_scoped3A = tpu.sem_alloc : memref<!tpu.dma_semaphore, #tpu.memory_space<semaphore_mem>>
        %dma_start3A_85 = tpu.memref_slice %arg3[%multiple_of3A_51] : memref<163840xi32, #tpu.memory_space<hbm>> -> memref<1280xi32, #tpu.memory_space<hbm>>
        %dma_start3A_86 = tpu.memref_slice %arg3[%multiple_of3A_51] : memref<163840xi32, #tpu.memory_space<hbm>> -> memref<1280xi32, #tpu.memory_space<hbm>>
        tpu.enqueue_dma source(%dma_start3A_86 : memref<1280xi32, #tpu.memory_space<hbm>>) target(%arg6 : memref<1280xi32, #tpu.memory_space<vmem>>) target_semaphore(%run_scoped3A : memref<!tpu.dma_semaphore, #tpu.memory_space<semaphore_mem>>)
        %dma_wait3A_87 = tpu.memref_slice %arg3[%multiple_of3A_51] : memref<163840xi32, #tpu.memory_space<hbm>> -> memref<1280xi32, #tpu.memory_space<hbm>>
        %dma_wait3A_88 = tpu.memref_slice %arg3[%multiple_of3A_51] : memref<163840xi32, #tpu.memory_space<hbm>> -> memref<1280xi32, #tpu.memory_space<hbm>>
        tpu.wait_dma2 semaphore(%run_scoped3A : memref<!tpu.dma_semaphore, #tpu.memory_space<semaphore_mem>>) src(%dma_wait3A_88 : memref<1280xi32, #tpu.memory_space<hbm>>) dst(%arg6 : memref<1280xi32, #tpu.memory_space<vmem>>)
        tpu.yield
      }) : () -> ()
      %dma_start3A = arith.constant 0 : i32
      %dma_start3A_52 = tpu.memref_slice %arg6[%dma_start3A] : memref<1280xi32, #tpu.memory_space<vmem>> -> memref<128xi32, #tpu.memory_space<vmem>>
      %dma_start3A_53 = arith.constant 0 : i32
      %dma_start3A_54 = arith.constant 0 : i32
      %dma_start3A_55 = tpu.memref_slice %arg2[%dma_start3A_53, %dma_start3A_54] : memref<10240x128xf32, #tpu.memory_space<hbm>> -> memref<10240x128xf32, #tpu.memory_space<hbm>>
      tpu.enqueue_indirect_dma source(%dma_start3A_55 : memref<10240x128xf32, #tpu.memory_space<hbm>>) target(%arg8 : memref<128x128xf32, #tpu.memory_space<vmem>>) offsets(%dma_start3A_52 : memref<128xi32, #tpu.memory_space<vmem>>) semaphore(%arg11 : memref<!tpu.dma_semaphore, #tpu.memory_space<semaphore_mem>>)
      %dma_start3A_56 = arith.constant 128 : i32
      %dma_start3A_57 = tpu.memref_slice %arg6[%dma_start3A_56] : memref<1280xi32, #tpu.memory_space<vmem>> -> memref<128xi32, #tpu.memory_space<vmem>>
      %dma_start3A_58 = arith.constant 0 : i32
      %dma_start3A_59 = arith.constant 0 : i32
      %dma_start3A_60 = tpu.memref_slice %arg2[%dma_start3A_58, %dma_start3A_59] : memref<10240x128xf32, #tpu.memory_space<hbm>> -> memref<10240x128xf32, #tpu.memory_space<hbm>>
      tpu.enqueue_indirect_dma source(%dma_start3A_60 : memref<10240x128xf32, #tpu.memory_space<hbm>>) target(%arg9 : memref<128x128xf32, #tpu.memory_space<vmem>>) offsets(%dma_start3A_57 : memref<128xi32, #tpu.memory_space<vmem>>) semaphore(%arg12 : memref<!tpu.dma_semaphore, #tpu.memory_space<semaphore_mem>>)
      %mul3A_61 = arith.constant 10 : i32
      %mul3A_62 = arith.muli %add3A_47, %mul3A_61 : i32
      %scan3A_63 = arith.constant 0 : i32
      %scan3A_64 = arith.constant 4 : i32
      %scan3A_65 = arith.addi %scan3A_63, %scan3A_64 : i32
      %scan3A_66 = arith.constant 1 : i32
      scf.for %scan3A_85 = %scan3A_63 to %scan3A_65 step %scan3A_66  : i32 {
        %mul3A_86 = arith.constant 2 : i32
        %mul3A_87 = arith.muli %scan3A_85, %mul3A_86 : i32
        %add3A_88 = arith.constant 0 : i32
        %add3A_89 = arith.addi %add3A_88, %mul3A_87 : i32
        %dma_wait3A_90 = arith.constant 0 : i32
        %dma_wait3A_91 = tpu.memref_slice %arg6[%dma_wait3A_90] : memref<1280xi32, #tpu.memory_space<vmem>> -> memref<128xi32, #tpu.memory_space<vmem>>
        %dma_wait3A_92 = arith.constant 0 : i32
        %dma_wait3A_93 = arith.constant 0 : i32
        %dma_wait3A_94 = tpu.memref_slice %arg2[%dma_wait3A_92, %dma_wait3A_93] : memref<10240x128xf32, #tpu.memory_space<hbm>> -> memref<10240x128xf32, #tpu.memory_space<hbm>>
        tpu.wait_indirect_dma semaphore(%arg11 : memref<!tpu.dma_semaphore, #tpu.memory_space<semaphore_mem>>) src(%dma_wait3A_94 : memref<10240x128xf32, #tpu.memory_space<hbm>>) dst(%arg8 : memref<128x128xf32, #tpu.memory_space<vmem>>)
        %add3A_95 = arith.addi %mul3A_62, %add3A_89 : i32
        "tpu.region"() ({
          %run_scoped3A = tpu.sem_alloc : memref<!tpu.dma_semaphore, #tpu.memory_space<semaphore_mem>>
          %dma_start3A_120 = arith.constant 0 : i32
          %dma_start3A_121 = tpu.memref_slice %arg7[%add3A_95, %dma_start3A_120] : memref<40x128xi32, #tpu.memory_space<vmem>> -> memref<1x128xi32, #tpu.memory_space<vmem>>
          %dma_start3A_122 = tpu.memref_squeeze %dma_start3A_121 : memref<1x128xi32, #tpu.memory_space<vmem>> -> memref<128xi32, #tpu.memory_space<vmem>>
          %dma_start3A_123 = arith.constant 0 : i32
          %dma_start3A_124 = arith.constant 0 : i32
          %dma_start3A_125 = tpu.memref_slice %arg10[%dma_start3A_123, %dma_start3A_124] : memref<10240x128xf32, #tpu.memory_space<vmem_shared>> -> memref<10240x128xf32, #tpu.memory_space<vmem_shared>>
          tpu.enqueue_indirect_dma source(%arg8 : memref<128x128xf32, #tpu.memory_space<vmem>>) target(%dma_start3A_125 : memref<10240x128xf32, #tpu.memory_space<vmem_shared>>) offsets(%dma_start3A_122 : memref<128xi32, #tpu.memory_space<vmem>>) semaphore(%run_scoped3A : memref<!tpu.dma_semaphore, #tpu.memory_space<semaphore_mem>>) {add = true}
          %dma_wait3A_126 = arith.constant 0 : i32
          %dma_wait3A_127 = tpu.memref_slice %arg7[%add3A_95, %dma_wait3A_126] : memref<40x128xi32, #tpu.memory_space<vmem>> -> memref<1x128xi32, #tpu.memory_space<vmem>>
          %dma_wait3A_128 = tpu.memref_squeeze %dma_wait3A_127 : memref<1x128xi32, #tpu.memory_space<vmem>> -> memref<128xi32, #tpu.memory_space<vmem>>
          %dma_wait3A_129 = arith.constant 0 : i32
          %dma_wait3A_130 = arith.constant 0 : i32
          %dma_wait3A_131 = tpu.memref_slice %arg10[%dma_wait3A_129, %dma_wait3A_130] : memref<10240x128xf32, #tpu.memory_space<vmem_shared>> -> memref<10240x128xf32, #tpu.memory_space<vmem_shared>>
          tpu.wait_indirect_dma semaphore(%run_scoped3A : memref<!tpu.dma_semaphore, #tpu.memory_space<semaphore_mem>>) src(%arg8 : memref<128x128xf32, #tpu.memory_space<vmem>>) dst(%dma_wait3A_131 : memref<10240x128xf32, #tpu.memory_space<vmem_shared>>)
          tpu.yield
        }) : () -> ()
        %add3A_96 = arith.constant 2 : i32
        %add3A_97 = arith.addi %add3A_89, %add3A_96 : i32
        %mul3A_98 = arith.constant 128 : i32
        %mul3A_99 = arith.muli %add3A_97, %mul3A_98 : i32
        %dma_start3A_100 = tpu.memref_slice %arg6[%mul3A_99] : memref<1280xi32, #tpu.memory_space<vmem>> -> memref<128xi32, #tpu.memory_space<vmem>>
        %dma_start3A_101 = arith.constant 0 : i32
        %dma_start3A_102 = arith.constant 0 : i32
        %dma_start3A_103 = tpu.memref_slice %arg2[%dma_start3A_101, %dma_start3A_102] : memref<10240x128xf32, #tpu.memory_space<hbm>> -> memref<10240x128xf32, #tpu.memory_space<hbm>>
        tpu.enqueue_indirect_dma source(%dma_start3A_103 : memref<10240x128xf32, #tpu.memory_space<hbm>>) target(%arg8 : memref<128x128xf32, #tpu.memory_space<vmem>>) offsets(%dma_start3A_100 : memref<128xi32, #tpu.memory_space<vmem>>) semaphore(%arg11 : memref<!tpu.dma_semaphore, #tpu.memory_space<semaphore_mem>>)
        %dma_wait3A_104 = arith.constant 0 : i32
        %dma_wait3A_105 = tpu.memref_slice %arg6[%dma_wait3A_104] : memref<1280xi32, #tpu.memory_space<vmem>> -> memref<128xi32, #tpu.memory_space<vmem>>
        %dma_wait3A_106 = arith.constant 0 : i32
        %dma_wait3A_107 = arith.constant 0 : i32
        %dma_wait3A_108 = tpu.memref_slice %arg2[%dma_wait3A_106, %dma_wait3A_107] : memref<10240x128xf32, #tpu.memory_space<hbm>> -> memref<10240x128xf32, #tpu.memory_space<hbm>>
        tpu.wait_indirect_dma semaphore(%arg12 : memref<!tpu.dma_semaphore, #tpu.memory_space<semaphore_mem>>) src(%dma_wait3A_108 : memref<10240x128xf32, #tpu.memory_space<hbm>>) dst(%arg9 : memref<128x128xf32, #tpu.memory_space<vmem>>)
        %add3A_109 = arith.addi %mul3A_62, %add3A_89 : i32
        %add3A_110 = arith.constant 1 : i32
        %add3A_111 = arith.addi %add3A_109, %add3A_110 : i32
        "tpu.region"() ({
          %run_scoped3A = tpu.sem_alloc : memref<!tpu.dma_semaphore, #tpu.memory_space<semaphore_mem>>
          %dma_start3A_120 = arith.constant 0 : i32
          %dma_start3A_121 = tpu.memref_slice %arg7[%add3A_111, %dma_start3A_120] : memref<40x128xi32, #tpu.memory_space<vmem>> -> memref<1x128xi32, #tpu.memory_space<vmem>>
          %dma_start3A_122 = tpu.memref_squeeze %dma_start3A_121 : memref<1x128xi32, #tpu.memory_space<vmem>> -> memref<128xi32, #tpu.memory_space<vmem>>
          %dma_start3A_123 = arith.constant 0 : i32
          %dma_start3A_124 = arith.constant 0 : i32
          %dma_start3A_125 = tpu.memref_slice %arg10[%dma_start3A_123, %dma_start3A_124] : memref<10240x128xf32, #tpu.memory_space<vmem_shared>> -> memref<10240x128xf32, #tpu.memory_space<vmem_shared>>
          tpu.enqueue_indirect_dma source(%arg9 : memref<128x128xf32, #tpu.memory_space<vmem>>) target(%dma_start3A_125 : memref<10240x128xf32, #tpu.memory_space<vmem_shared>>) offsets(%dma_start3A_122 : memref<128xi32, #tpu.memory_space<vmem>>) semaphore(%run_scoped3A : memref<!tpu.dma_semaphore, #tpu.memory_space<semaphore_mem>>) {add = true}
          %dma_wait3A_126 = arith.constant 0 : i32
          %dma_wait3A_127 = tpu.memref_slice %arg7[%add3A_111, %dma_wait3A_126] : memref<40x128xi32, #tpu.memory_space<vmem>> -> memref<1x128xi32, #tpu.memory_space<vmem>>
          %dma_wait3A_128 = tpu.memref_squeeze %dma_wait3A_127 : memref<1x128xi32, #tpu.memory_space<vmem>> -> memref<128xi32, #tpu.memory_space<vmem>>
          %dma_wait3A_129 = arith.constant 0 : i32
          %dma_wait3A_130 = arith.constant 0 : i32
          %dma_wait3A_131 = tpu.memref_slice %arg10[%dma_wait3A_129, %dma_wait3A_130] : memref<10240x128xf32, #tpu.memory_space<vmem_shared>> -> memref<10240x128xf32, #tpu.memory_space<vmem_shared>>
          tpu.wait_indirect_dma semaphore(%run_scoped3A : memref<!tpu.dma_semaphore, #tpu.memory_space<semaphore_mem>>) src(%arg9 : memref<128x128xf32, #tpu.memory_space<vmem>>) dst(%dma_wait3A_131 : memref<10240x128xf32, #tpu.memory_space<vmem_shared>>)
          tpu.yield
        }) : () -> ()
        %add3A_112 = arith.constant 3 : i32
        %add3A_113 = arith.addi %add3A_89, %add3A_112 : i32
        %mul3A_114 = arith.constant 128 : i32
        %mul3A_115 = arith.muli %add3A_113, %mul3A_114 : i32
        %dma_start3A_116 = tpu.memref_slice %arg6[%mul3A_115] : memref<1280xi32, #tpu.memory_space<vmem>> -> memref<128xi32, #tpu.memory_space<vmem>>
        %dma_start3A_117 = arith.constant 0 : i32
        %dma_start3A_118 = arith.constant 0 : i32
        %dma_start3A_119 = tpu.memref_slice %arg2[%dma_start3A_117, %dma_start3A_118] : memref<10240x128xf32, #tpu.memory_space<hbm>> -> memref<10240x128xf32, #tpu.memory_space<hbm>>
        tpu.enqueue_indirect_dma source(%dma_start3A_119 : memref<10240x128xf32, #tpu.memory_space<hbm>>) target(%arg9 : memref<128x128xf32, #tpu.memory_space<vmem>>) offsets(%dma_start3A_116 : memref<128xi32, #tpu.memory_space<vmem>>) semaphore(%arg12 : memref<!tpu.dma_semaphore, #tpu.memory_space<semaphore_mem>>)
      }
      %scan3A_67 = arith.constant 4 : i32
      %dma_wait3A = arith.constant 0 : i32
      %dma_wait3A_68 = tpu.memref_slice %arg6[%dma_wait3A] : memref<1280xi32, #tpu.memory_space<vmem>> -> memref<128xi32, #tpu.memory_space<vmem>>
      %dma_wait3A_69 = arith.constant 0 : i32
      %dma_wait3A_70 = arith.constant 0 : i32
      %dma_wait3A_71 = tpu.memref_slice %arg2[%dma_wait3A_69, %dma_wait3A_70] : memref<10240x128xf32, #tpu.memory_space<hbm>> -> memref<10240x128xf32, #tpu.memory_space<hbm>>
      tpu.wait_indirect_dma semaphore(%arg11 : memref<!tpu.dma_semaphore, #tpu.memory_space<semaphore_mem>>) src(%dma_wait3A_71 : memref<10240x128xf32, #tpu.memory_space<hbm>>) dst(%arg8 : memref<128x128xf32, #tpu.memory_space<vmem>>)
      %add3A_72 = arith.constant 10 : i32
      %add3A_73 = arith.addi %mul3A_62, %add3A_72 : i32
      %sub3A_74 = arith.constant 2 : i32
      %sub3A_75 = arith.subi %add3A_73, %sub3A_74 : i32
      "tpu.region"() ({
        %run_scoped3A = tpu.sem_alloc : memref<!tpu.dma_semaphore, #tpu.memory_space<semaphore_mem>>
        %dma_start3A_85 = arith.constant 0 : i32
        %dma_start3A_86 = tpu.memref_slice %arg7[%sub3A_75, %dma_start3A_85] : memref<40x128xi32, #tpu.memory_space<vmem>> -> memref<1x128xi32, #tpu.memory_space<vmem>>
        %dma_start3A_87 = tpu.memref_squeeze %dma_start3A_86 : memref<1x128xi32, #tpu.memory_space<vmem>> -> memref<128xi32, #tpu.memory_space<vmem>>
        %dma_start3A_88 = arith.constant 0 : i32
        %dma_start3A_89 = arith.constant 0 : i32
        %dma_start3A_90 = tpu.memref_slice %arg10[%dma_start3A_88, %dma_start3A_89] : memref<10240x128xf32, #tpu.memory_space<vmem_shared>> -> memref<10240x128xf32, #tpu.memory_space<vmem_shared>>
        tpu.enqueue_indirect_dma source(%arg8 : memref<128x128xf32, #tpu.memory_space<vmem>>) target(%dma_start3A_90 : memref<10240x128xf32, #tpu.memory_space<vmem_shared>>) offsets(%dma_start3A_87 : memref<128xi32, #tpu.memory_space<vmem>>) semaphore(%run_scoped3A : memref<!tpu.dma_semaphore, #tpu.memory_space<semaphore_mem>>) {add = true}
        %dma_wait3A_91 = arith.constant 0 : i32
        %dma_wait3A_92 = tpu.memref_slice %arg7[%sub3A_75, %dma_wait3A_91] : memref<40x128xi32, #tpu.memory_space<vmem>> -> memref<1x128xi32, #tpu.memory_space<vmem>>
        %dma_wait3A_93 = tpu.memref_squeeze %dma_wait3A_92 : memref<1x128xi32, #tpu.memory_space<vmem>> -> memref<128xi32, #tpu.memory_space<vmem>>
        %dma_wait3A_94 = arith.constant 0 : i32
        %dma_wait3A_95 = arith.constant 0 : i32
        %dma_wait3A_96 = tpu.memref_slice %arg10[%dma_wait3A_94, %dma_wait3A_95] : memref<10240x128xf32, #tpu.memory_space<vmem_shared>> -> memref<10240x128xf32, #tpu.memory_space<vmem_shared>>
        tpu.wait_indirect_dma semaphore(%run_scoped3A : memref<!tpu.dma_semaphore, #tpu.memory_space<semaphore_mem>>) src(%arg8 : memref<128x128xf32, #tpu.memory_space<vmem>>) dst(%dma_wait3A_96 : memref<10240x128xf32, #tpu.memory_space<vmem_shared>>)
        tpu.yield
      }) : () -> ()
      %dma_wait3A_76 = arith.constant 0 : i32
      %dma_wait3A_77 = tpu.memref_slice %arg6[%dma_wait3A_76] : memref<1280xi32, #tpu.memory_space<vmem>> -> memref<128xi32, #tpu.memory_space<vmem>>
      %dma_wait3A_78 = arith.constant 0 : i32
      %dma_wait3A_79 = arith.constant 0 : i32
      %dma_wait3A_80 = tpu.memref_slice %arg2[%dma_wait3A_78, %dma_wait3A_79] : memref<10240x128xf32, #tpu.memory_space<hbm>> -> memref<10240x128xf32, #tpu.memory_space<hbm>>
      tpu.wait_indirect_dma semaphore(%arg12 : memref<!tpu.dma_semaphore, #tpu.memory_space<semaphore_mem>>) src(%dma_wait3A_80 : memref<10240x128xf32, #tpu.memory_space<hbm>>) dst(%arg9 : memref<128x128xf32, #tpu.memory_space<vmem>>)
      %add3A_81 = arith.constant 10 : i32
      %add3A_82 = arith.addi %mul3A_62, %add3A_81 : i32
      %sub3A_83 = arith.constant 1 : i32
      %sub3A_84 = arith.subi %add3A_82, %sub3A_83 : i32
      "tpu.region"() ({
        %run_scoped3A = tpu.sem_alloc : memref<!tpu.dma_semaphore, #tpu.memory_space<semaphore_mem>>
        %dma_start3A_85 = arith.constant 0 : i32
        %dma_start3A_86 = tpu.memref_slice %arg7[%sub3A_84, %dma_start3A_85] : memref<40x128xi32, #tpu.memory_space<vmem>> -> memref<1x128xi32, #tpu.memory_space<vmem>>
        %dma_start3A_87 = tpu.memref_squeeze %dma_start3A_86 : memref<1x128xi32, #tpu.memory_space<vmem>> -> memref<128xi32, #tpu.memory_space<vmem>>
        %dma_start3A_88 = arith.constant 0 : i32
        %dma_start3A_89 = arith.constant 0 : i32
        %dma_start3A_90 = tpu.memref_slice %arg10[%dma_start3A_88, %dma_start3A_89] : memref<10240x128xf32, #tpu.memory_space<vmem_shared>> -> memref<10240x128xf32, #tpu.memory_space<vmem_shared>>
        tpu.enqueue_indirect_dma source(%arg9 : memref<128x128xf32, #tpu.memory_space<vmem>>) target(%dma_start3A_90 : memref<10240x128xf32, #tpu.memory_space<vmem_shared>>) offsets(%dma_start3A_87 : memref<128xi32, #tpu.memory_space<vmem>>) semaphore(%run_scoped3A : memref<!tpu.dma_semaphore, #tpu.memory_space<semaphore_mem>>) {add = true}
        %dma_wait3A_91 = arith.constant 0 : i32
        %dma_wait3A_92 = tpu.memref_slice %arg7[%sub3A_84, %dma_wait3A_91] : memref<40x128xi32, #tpu.memory_space<vmem>> -> memref<1x128xi32, #tpu.memory_space<vmem>>
        %dma_wait3A_93 = tpu.memref_squeeze %dma_wait3A_92 : memref<1x128xi32, #tpu.memory_space<vmem>> -> memref<128xi32, #tpu.memory_space<vmem>>
        %dma_wait3A_94 = arith.constant 0 : i32
        %dma_wait3A_95 = arith.constant 0 : i32
        %dma_wait3A_96 = tpu.memref_slice %arg10[%dma_wait3A_94, %dma_wait3A_95] : memref<10240x128xf32, #tpu.memory_space<vmem_shared>> -> memref<10240x128xf32, #tpu.memory_space<vmem_shared>>
        tpu.wait_indirect_dma semaphore(%run_scoped3A : memref<!tpu.dma_semaphore, #tpu.memory_space<semaphore_mem>>) src(%arg9 : memref<128x128xf32, #tpu.memory_space<vmem>>) dst(%dma_wait3A_96 : memref<10240x128xf32, #tpu.memory_space<vmem_shared>>)
        tpu.yield
      }) : () -> ()
    }
    %scan3A_32 = arith.constant 4 : i32
    %barrier3A_33 = arith.constant 0 : index
    tpu.barrier barrier_id(%barrier3A_33)
    %mul3A_34 = arith.constant 640 : i32
    %mul3A_35 = arith.muli %arg1, %mul3A_34 : i32
    %multiple_of3A_36 = tpu.assume_multiple %mul3A_35, 128 : i32
    %mul3A_37 = arith.constant 10240 : i32
    %mul3A_38 = arith.muli %arg0, %mul3A_37 : i32
    %mul3A_39 = arith.constant 640 : i32
    %mul3A_40 = arith.muli %arg1, %mul3A_39 : i32
    %add3A_41 = arith.addi %mul3A_38, %mul3A_40 : i32
    %multiple_of3A_42 = tpu.assume_multiple %add3A_41, 128 : i32
    "tpu.region"() ({
      %run_scoped3A = tpu.sem_alloc : memref<!tpu.dma_semaphore, #tpu.memory_space<semaphore_mem>>
      %dma_start3A = arith.constant 0 : i32
      %dma_start3A_43 = tpu.memref_slice %arg5[%multiple_of3A_42, %dma_start3A] : memref<20480x128xf32, #tpu.memory_space<hbm>> -> memref<640x128xf32, #tpu.memory_space<hbm>>
      %dma_start3A_44 = arith.constant 0 : i32
      %dma_start3A_45 = tpu.memref_slice %arg10[%multiple_of3A_36, %dma_start3A_44] : memref<10240x128xf32, #tpu.memory_space<vmem_shared>> -> memref<640x128xf32, #tpu.memory_space<vmem_shared>>
      tpu.enqueue_dma source(%dma_start3A_45 : memref<640x128xf32, #tpu.memory_space<vmem_shared>>) target(%dma_start3A_43 : memref<640x128xf32, #tpu.memory_space<hbm>>) target_semaphore(%run_scoped3A : memref<!tpu.dma_semaphore, #tpu.memory_space<semaphore_mem>>)
      %dma_wait3A = arith.constant 0 : i32
      %dma_wait3A_46 = tpu.memref_slice %arg5[%multiple_of3A_42, %dma_wait3A] : memref<20480x128xf32, #tpu.memory_space<hbm>> -> memref<640x128xf32, #tpu.memory_space<hbm>>
      %dma_wait3A_47 = arith.constant 0 : i32
      %dma_wait3A_48 = tpu.memref_slice %arg10[%multiple_of3A_36, %dma_wait3A_47] : memref<10240x128xf32, #tpu.memory_space<vmem_shared>> -> memref<640x128xf32, #tpu.memory_space<vmem_shared>>
      tpu.wait_dma2 semaphore(%run_scoped3A : memref<!tpu.dma_semaphore, #tpu.memory_space<semaphore_mem>>) src(%dma_wait3A_48 : memref<640x128xf32, #tpu.memory_space<vmem_shared>>) dst(%dma_wait3A_46 : memref<640x128xf32, #tpu.memory_space<hbm>>)
      tpu.yield
    }) : () -> ()
    return
  }
}

module attributes {stable_mosaic.version = 14 : i64} {
  func.func @_k0_body(%arg0: i32, %arg1: memref<32x256xf32, #tpu.memory_space<vmem>>, %arg2: memref<256x256xf32, #tpu.memory_space<vmem>>, %arg3: memref<256x1xf32, #tpu.memory_space<vmem>>, %arg4: memref<256x256xf32, #tpu.memory_space<vmem>>) attributes {dimension_semantics = [#tpu.dimension_semantics<arbitrary>], iteration_bounds = array<i64: 40>, scalar_prefetch = 0 : i64, scratch_operands = 0 : i64, tpu.core_type = #tpu.core_type<tc>, window_params = [{transform_indices = @transform_0, window_bounds = array<i64: 32, 256>}, {transform_indices = @transform_1, window_bounds = array<i64: 256, 256>}, {transform_indices = @transform_2, window_bounds = array<i64: 256, 1>}, {transform_indices = @transform_3, window_bounds = array<i64: 256, 256>}]} {
    %get3A = arith.constant 0 : index
    %get3A_0 = arith.constant 0 : index
    %get3A_1 = vector.load %arg1[%get3A, %get3A_0] : memref<32x256xf32, #tpu.memory_space<vmem>>, vector<32x256xf32>
    %reduce_sum3A = arith.constant dense<0.000000e+00> : vector<256xf32>
    %reduce_sum3A_2 = vector.multi_reduction <add>, %get3A_1, %reduce_sum3A [0] : vector<32x256xf32> to vector<256xf32>
    %add3A = arith.constant 1.000000e+00 : f32
    %add3A_3 = vector.broadcast %add3A : f32 to vector<256xf32>
    %add3A_4 = arith.addf %reduce_sum3A_2, %add3A_3 : vector<256xf32>
    %rsqrt3A = math.rsqrt %add3A_4 : vector<256xf32>
    %broadcast_in_dim3A = vector.shape_cast %rsqrt3A : vector<256xf32> to vector<256x1xf32>
    %swap3A = arith.constant 0 : index
    %swap3A_5 = arith.constant 0 : index
    %swap3A_6 = vector.load %arg3[%swap3A, %swap3A_5] : memref<256x1xf32, #tpu.memory_space<vmem>>, vector<256x1xf32>
    tpu.vector_store %arg3[%swap3A, %swap3A_5], %broadcast_in_dim3A {strides = array<i32>} : memref<256x1xf32, #tpu.memory_space<vmem>>, vector<256x1xf32>,
    %get3A_7 = arith.constant 0 : index
    %get3A_8 = arith.constant 0 : index
    %get3A_9 = vector.load %arg2[%get3A_7, %get3A_8] : memref<256x256xf32, #tpu.memory_space<vmem>>, vector<256x256xf32>
    %mul3A = vector.broadcast %broadcast_in_dim3A : vector<256x1xf32> to vector<256x256xf32>
    %mul3A_10 = arith.mulf %get3A_9, %mul3A : vector<256x256xf32>
    %swap3A_11 = arith.constant 0 : index
    %swap3A_12 = arith.constant 0 : index
    %swap3A_13 = vector.load %arg4[%swap3A_11, %swap3A_12] : memref<256x256xf32, #tpu.memory_space<vmem>>, vector<256x256xf32>
    tpu.vector_store %arg4[%swap3A_11, %swap3A_12], %mul3A_10 {strides = array<i32>} : memref<256x256xf32, #tpu.memory_space<vmem>>, vector<256x256xf32>,
    return
  }
  func.func @transform_0(%arg0: i32) -> (i32, i32) {
    %c0_i32 = arith.constant 0 : i32
    %c0_i32_0 = arith.constant 0 : i32
    return %c0_i32, %arg0 : i32, i32
  }
  func.func @transform_1(%arg0: i32) -> (i32, i32) {
    %c0_i32 = arith.constant 0 : i32
    %c0_i32_0 = arith.constant 0 : i32
    return %arg0, %c0_i32 : i32, i32
  }
  func.func @transform_2(%arg0: i32) -> (i32, i32) {
    %c0_i32 = arith.constant 0 : i32
    %c0_i32_0 = arith.constant 0 : i32
    return %arg0, %c0_i32 : i32, i32
  }
  func.func @transform_3(%arg0: i32) -> (i32, i32) {
    %c0_i32 = arith.constant 0 : i32
    %c0_i32_0 = arith.constant 0 : i32
    return %arg0, %c0_i32 : i32, i32
  }
}

module attributes {stable_mosaic.version = 14 : i64} {
  func.func @_k1_body(%arg0: i32, %arg1: memref<2x256x128xf32, #tpu.memory_space<vmem>>, %arg2: memref<256x256xf32, #tpu.memory_space<vmem>>, %arg3: memref<256x1xf32, #tpu.memory_space<vmem>>, %arg4: memref<256x512xf32, #tpu.memory_space<vmem>>, %arg5: memref<1x512xf32, #tpu.memory_space<vmem>>, %arg6: memref<512x128xf32, #tpu.memory_space<vmem>>, %arg7: memref<256x128xf32, #tpu.memory_space<vmem>>) attributes {dimension_semantics = [#tpu.dimension_semantics<arbitrary>], iteration_bounds = array<i64: 40>, scalar_prefetch = 0 : i64, scratch_operands = 0 : i64, tpu.core_type = #tpu.core_type<tc>, window_params = [{transform_indices = @transform_0, window_bounds = array<i64: 2, 256, 128>}, {transform_indices = @transform_1, window_bounds = array<i64: 256, 256>}, {transform_indices = @transform_2, window_bounds = array<i64: 256, 1>}, {pipeline_mode = #tpu.pipeline_mode<synchronous>, transform_indices = @transform_3, window_bounds = array<i64: 256, 512>}, {pipeline_mode = #tpu.pipeline_mode<synchronous>, transform_indices = @transform_4, window_bounds = array<i64: 1, 512>}, {pipeline_mode = #tpu.pipeline_mode<synchronous>, transform_indices = @transform_5, window_bounds = array<i64: 512, 128>}, {transform_indices = @transform_6, window_bounds = array<i64: 256, 128>}]} {
    %get3A = arith.constant 0 : index
    %get3A_0 = arith.constant 0 : index
    %get3A_1 = vector.load %arg3[%get3A, %get3A_0] : memref<256x1xf32, #tpu.memory_space<vmem>>, vector<256x1xf32>
    %get3A_2 = arith.constant 0 : index
    %get3A_3 = arith.constant 0 : index
    %get3A_4 = arith.constant 0 : index
    %get3A_5 = vector.load %arg1[%get3A_2, %get3A_3, %get3A_4] : memref<2x256x128xf32, #tpu.memory_space<vmem>>, vector<1x256x128xf32>
    %get3A_6 = vector.shape_cast %get3A_5 : vector<1x256x128xf32> to vector<256x128xf32>
    %get3A_7 = arith.constant 1 : index
    %get3A_8 = arith.constant 0 : index
    %get3A_9 = arith.constant 0 : index
    %get3A_10 = vector.load %arg1[%get3A_7, %get3A_8, %get3A_9] : memref<2x256x128xf32, #tpu.memory_space<vmem>>, vector<1x256x128xf32>
    %get3A_11 = vector.shape_cast %get3A_10 : vector<1x256x128xf32> to vector<256x128xf32>
    %concatenate3A = tpu.concatenate %get3A_6, %get3A_11 in 1 : vector<256x128xf32>, vector<256x128xf32> -> vector<256x256xf32>
    %get3A_12 = arith.constant 0 : index
    %get3A_13 = arith.constant 0 : index
    %get3A_14 = vector.load %arg2[%get3A_12, %get3A_13] : memref<256x256xf32, #tpu.memory_space<vmem>>, vector<256x256xf32>
    %add3A = arith.addf %concatenate3A, %get3A_14 : vector<256x256xf32>
    %mul3A = vector.broadcast %get3A_1 : vector<256x1xf32> to vector<256x256xf32>
    %mul3A_15 = arith.mulf %mul3A, %add3A : vector<256x256xf32>
    %get3A_16 = arith.constant 0 : index
    %get3A_17 = arith.constant 0 : index
    %get3A_18 = vector.load %arg4[%get3A_16, %get3A_17] : memref<256x512xf32, #tpu.memory_space<vmem>>, vector<256x512xf32>
    %dot_general3A = arith.constant dense<0.000000e+00> : vector<256x512xf32>
    %dot_general3A_19 = tpu.matmul %mul3A_15, %get3A_18, %dot_general3A {dimension_numbers = #tpu.dot_dimension_numbers<[1], [0], [0], [1], [0, 0, 1, 1], [], []>, transpose_lhs_hint = false} : vector<256x256xf32>, vector<256x512xf32>, vector<256x512xf32> -> vector<256x512xf32>
    %get3A_20 = arith.constant 0 : index
    %get3A_21 = arith.constant 0 : index
    %get3A_22 = vector.load %arg5[%get3A_20, %get3A_21] : memref<1x512xf32, #tpu.memory_space<vmem>>, vector<1x512xf32>
    %add3A_23 = vector.broadcast %get3A_22 : vector<1x512xf32> to vector<256x512xf32>
    %add3A_24 = arith.addf %dot_general3A_19, %add3A_23 : vector<256x512xf32>
    %max3A = arith.constant 0.000000e+00 : f32
    %max3A_25 = vector.broadcast %max3A : f32 to vector<256x512xf32>
    %max3A_26 = arith.maximumf %add3A_24, %max3A_25 : vector<256x512xf32>
    %get3A_27 = arith.constant 0 : index
    %get3A_28 = arith.constant 0 : index
    %get3A_29 = vector.load %arg6[%get3A_27, %get3A_28] : memref<512x128xf32, #tpu.memory_space<vmem>>, vector<512x128xf32>
    %dot_general3A_30 = arith.constant dense<0.000000e+00> : vector<256x128xf32>
    %dot_general3A_31 = tpu.matmul %max3A_26, %get3A_29, %dot_general3A_30 {dimension_numbers = #tpu.dot_dimension_numbers<[1], [0], [0], [1], [0, 0, 1, 1], [], []>, transpose_lhs_hint = false} : vector<256x512xf32>, vector<512x128xf32>, vector<256x128xf32> -> vector<256x128xf32>
    %mul3A_32 = vector.broadcast %get3A_1 : vector<256x1xf32> to vector<256x128xf32>
    %mul3A_33 = arith.mulf %mul3A_32, %dot_general3A_31 : vector<256x128xf32>
    %swap3A = arith.constant 0 : index
    %swap3A_34 = arith.constant 0 : index
    %swap3A_35 = vector.load %arg7[%swap3A, %swap3A_34] : memref<256x128xf32, #tpu.memory_space<vmem>>, vector<256x128xf32>
    tpu.vector_store %arg7[%swap3A, %swap3A_34], %mul3A_33 {strides = array<i32>} : memref<256x128xf32, #tpu.memory_space<vmem>>, vector<256x128xf32>,
    return
  }
  func.func @transform_0(%arg0: i32) -> (i32, i32, i32) {
    %c0_i32 = arith.constant 0 : i32
    %c0_i32_0 = arith.constant 0 : i32
    %c0_i32_1 = arith.constant 0 : i32
    return %c0_i32, %arg0, %c0_i32_0 : i32, i32, i32
  }
  func.func @transform_1(%arg0: i32) -> (i32, i32) {
    %c0_i32 = arith.constant 0 : i32
    %c0_i32_0 = arith.constant 0 : i32
    return %arg0, %c0_i32 : i32, i32
  }
  func.func @transform_2(%arg0: i32) -> (i32, i32) {
    %c0_i32 = arith.constant 0 : i32
    %c0_i32_0 = arith.constant 0 : i32
    return %arg0, %c0_i32 : i32, i32
  }
  func.func @transform_3(%arg0: i32) -> (i32, i32) {
    %c0_i32 = arith.constant 0 : i32
    %c0_i32_0 = arith.constant 0 : i32
    %c0_i32_1 = arith.constant 0 : i32
    return %c0_i32, %c0_i32_0 : i32, i32
  }
  func.func @transform_4(%arg0: i32) -> (i32, i32) {
    %c0_i32 = arith.constant 0 : i32
    %c0_i32_0 = arith.constant 0 : i32
    %c0_i32_1 = arith.constant 0 : i32
    return %c0_i32, %c0_i32_0 : i32, i32
  }
  func.func @transform_5(%arg0: i32) -> (i32, i32) {
    %c0_i32 = arith.constant 0 : i32
    %c0_i32_0 = arith.constant 0 : i32
    %c0_i32_1 = arith.constant 0 : i32
    return %c0_i32, %c0_i32_0 : i32, i32
  }
  func.func @transform_6(%arg0: i32) -> (i32, i32) {
    %c0_i32 = arith.constant 0 : i32
    %c0_i32_0 = arith.constant 0 : i32
    return %arg0, %c0_i32 : i32, i32
  }
}

module attributes {stable_mosaic.version = 14 : i64} {
  func.func @_k2_body(%arg0: i32, %arg1: memref<2x256x128xf32, #tpu.memory_space<vmem>>, %arg2: memref<256x128xf32, #tpu.memory_space<vmem>>, %arg3: memref<256x1xf32, #tpu.memory_space<vmem>>, %arg4: memref<1x128xf32, #tpu.memory_space<vmem>>, %arg5: memref<256x128xf32, #tpu.memory_space<vmem>>) attributes {dimension_semantics = [#tpu.dimension_semantics<arbitrary>], iteration_bounds = array<i64: 40>, scalar_prefetch = 0 : i64, scratch_operands = 0 : i64, tpu.core_type = #tpu.core_type<tc>, window_params = [{transform_indices = @transform_0, window_bounds = array<i64: 2, 256, 128>}, {transform_indices = @transform_1, window_bounds = array<i64: 256, 128>}, {transform_indices = @transform_2, window_bounds = array<i64: 256, 1>}, {pipeline_mode = #tpu.pipeline_mode<synchronous>, transform_indices = @transform_3, window_bounds = array<i64: 1, 128>}, {transform_indices = @transform_4, window_bounds = array<i64: 256, 128>}]} {
    %get3A = arith.constant 0 : index
    %get3A_0 = arith.constant 0 : index
    %get3A_1 = vector.load %arg3[%get3A, %get3A_0] : memref<256x1xf32, #tpu.memory_space<vmem>>, vector<256x1xf32>
    %get3A_2 = arith.constant 0 : index
    %get3A_3 = arith.constant 0 : index
    %get3A_4 = arith.constant 0 : index
    %get3A_5 = vector.load %arg1[%get3A_2, %get3A_3, %get3A_4] : memref<2x256x128xf32, #tpu.memory_space<vmem>>, vector<1x256x128xf32>
    %get3A_6 = vector.shape_cast %get3A_5 : vector<1x256x128xf32> to vector<256x128xf32>
    %get3A_7 = arith.constant 1 : index
    %get3A_8 = arith.constant 0 : index
    %get3A_9 = arith.constant 0 : index
    %get3A_10 = vector.load %arg1[%get3A_7, %get3A_8, %get3A_9] : memref<2x256x128xf32, #tpu.memory_space<vmem>>, vector<1x256x128xf32>
    %get3A_11 = vector.shape_cast %get3A_10 : vector<1x256x128xf32> to vector<256x128xf32>
    %add3A = arith.addf %get3A_6, %get3A_11 : vector<256x128xf32>
    %get3A_12 = arith.constant 0 : index
    %get3A_13 = arith.constant 0 : index
    %get3A_14 = vector.load %arg2[%get3A_12, %get3A_13] : memref<256x128xf32, #tpu.memory_space<vmem>>, vector<256x128xf32>
    %add3A_15 = arith.addf %add3A, %get3A_14 : vector<256x128xf32>
    %mul3A = vector.broadcast %get3A_1 : vector<256x1xf32> to vector<256x128xf32>
    %mul3A_16 = arith.mulf %mul3A, %add3A_15 : vector<256x128xf32>
    %get3A_17 = arith.constant 0 : index
    %get3A_18 = arith.constant 0 : index
    %get3A_19 = vector.load %arg4[%get3A_17, %get3A_18] : memref<1x128xf32, #tpu.memory_space<vmem>>, vector<1x128xf32>
    %add3A_20 = vector.broadcast %get3A_19 : vector<1x128xf32> to vector<256x128xf32>
    %add3A_21 = arith.addf %mul3A_16, %add3A_20 : vector<256x128xf32>
    %swap3A = arith.constant 0 : index
    %swap3A_22 = arith.constant 0 : index
    %swap3A_23 = vector.load %arg5[%swap3A, %swap3A_22] : memref<256x128xf32, #tpu.memory_space<vmem>>, vector<256x128xf32>
    tpu.vector_store %arg5[%swap3A, %swap3A_22], %add3A_21 {strides = array<i32>} : memref<256x128xf32, #tpu.memory_space<vmem>>, vector<256x128xf32>,
    return
  }
  func.func @transform_0(%arg0: i32) -> (i32, i32, i32) {
    %c0_i32 = arith.constant 0 : i32
    %c0_i32_0 = arith.constant 0 : i32
    %c0_i32_1 = arith.constant 0 : i32
    return %c0_i32, %arg0, %c0_i32_0 : i32, i32, i32
  }
  func.func @transform_1(%arg0: i32) -> (i32, i32) {
    %c0_i32 = arith.constant 0 : i32
    %c0_i32_0 = arith.constant 0 : i32
    return %arg0, %c0_i32 : i32, i32
  }
  func.func @transform_2(%arg0: i32) -> (i32, i32) {
    %c0_i32 = arith.constant 0 : i32
    %c0_i32_0 = arith.constant 0 : i32
    return %arg0, %c0_i32 : i32, i32
  }
  func.func @transform_3(%arg0: i32) -> (i32, i32) {
    %c0_i32 = arith.constant 0 : i32
    %c0_i32_0 = arith.constant 0 : i32
    %c0_i32_1 = arith.constant 0 : i32
    return %c0_i32, %c0_i32_0 : i32, i32
  }
  func.func @transform_4(%arg0: i32) -> (i32, i32) {
    %c0_i32 = arith.constant 0 : i32
    %c0_i32_0 = arith.constant 0 : i32
    return %arg0, %c0_i32 : i32, i32
  }
}

</mosaic_0001>

<sc_bundles>
// kernel: kernel.11.cloned.1.call-start
scs
__scs_entry_jumppad:
0x0: {  	(pc) =	sbr.rel $0x88, $3  }
0x1: {  	(tag) =	ssettag $0x0;
	lr =	simm.s32 $0x1  }
0x2: {  	[smem:$0x3F9B] =	sst lr;
	_ =	strace $0xD0000000  }
0x3: {  	_ = 	snop  }
0x4: {  	_ = 	snop  }
0x5: {  	_ = 	snop  }
0x6: {  	_ = 	snop  }
0x7: {  	_ = 	snop  }
__scs_overlays_trampoline_lowered:
0x8: {  	[smem:$0x3FAA] =	sst s0  }
0x9: {  	[smem:$0x3FAB] =	sst s1  }
0xa: {  	[smem:$0x3FAC] =	sst s2  }
0xb: {  	[smem:$0x3FAD] =	sst s3  }
0xc: {  	[smem:$0x3FAE] =	sst s4  }
0xd: {  	[smem:$0x3FAF] =	sst s5  }
0xe: {  	[smem:$0x3FB0] =	sst s6  }
0xf: {  	[smem:$0x3FB1] =	sst s7  }
0x10: {  	[smem:$0x3FB2] =	sst s8  }
0x11: {  	[smem:$0x3FB3] =	sst s9;
	s0 =	simm.s32 @!p0 $0x0  }
0x12: {  	s1 =	sld [smem:$0x3F99];
	s0 =	simm.s32 @p0 $0x1  }
0x13: {  	[smem:$0x3FB4] =	sst s0;
	s0 =	simm.s32 @!p1 $0x0  }
0x14: {  	s2 =	sld [smem:$0x3F98];
	s0 =	simm.s32 @p1 $0x1  }
0x15: {  	[smem:$0x3FB5] =	sst s0;
	s0 =	simm.s32 @!p2 $0x0  }
0x16: {  	s3 =	sld [smem:$0x3FDB];
	s0 =	simm.s32 @p2 $0x1  }
0x17: {  	s4 =	simm.s32 $0x1BF5;
	[smem:$0x3FB7] =	sst s0  }
0x18: {  	s0 =	sld [smem:$0x3F9A];
	_ =	swait.ge [sflag:s4], $0x0  }
0x19: {  	s7 =	sld [smem:$0x3F9B]  }
0x1a: {  	s8 =	sadd.s32 $0xFFFFE003, lr  }
0x1b: {  	s9 =	sadd.s32 $0xFFFFFEF7, lr;
	s5 =	simm.s32 $0xFFFFFFFF;
	p2 =	slt.u32 s8, $0xFFFFF086  }
0x1c: {  	p1 =	slt.u32 s9, $0xF7A;
	s5 =	simm.s32 @!p2 $0x0  }
0x1d: {  	s5 =	simm.s32 @p1 $0x1;
	p0 =	seq.s32 s7, s2  }
0x1e: {  	s7 =	smul.u32 @!p0 $0xF7A, s2;
	p2 =	seq.s32 @!p0 s5, $0x0  }
0x1f: {  	s9 =	smul.u32 $0xF7A, s1;
	s8 =	simm.s32 @!p0 $0x1BF5;
	p2 =	por !p2, p0  }
0x20: {  	[sflag:s8] =	ssyncset.s32 @!p0 $0xFFFFF086;
	s6 =	sadd.s32 @!p0 s3, s7;
	s7 =	simm.s32 @!p0 $0x108  }
0x21: {  	s3 =	sadd.s32 s3, s9;
	s6 =	sadd.s32 @!p0 $0x88, s6;
	s7 =	simm.s32 @p2 $0x1082  }
0x22: {  	[simem:s7], [sflag:s8] =	dma.local @!p0 [hbm:s6], $0xF7A  }
0x23: {  	s9 =	sor.u32 $0xD0000000, s2;
	s6 =	simm.s32 $0x108;
	_ =	swait.ge @!p0 [sflag:s8], $0x0  }
0x24: {  	s3 =	sadd.s32 $0x88, s3;
	s6 =	simm.s32 @!p1 $0x1082;
	[sflag:s4] =	ssyncset.s32 $0xFFFFF086  }
0x25: {  	[simem:s6], [sflag:s4] =	dma.local [hbm:s3], $0xF7A  }
0x26: {  	[smem:$0x3F9B] =	sst s1;
	(tag) =	ssettag s2;
	_ =	strace s9  }
0x27: {  	s1 =	sld [smem:$0x3FAB]  }
0x28: {  	s2 =	sld [smem:$0x3FAC]  }
0x29: {  	s4 =	sld [smem:$0x3FAE]  }
0x2a: {  	p0 =	seq.s32 s5, $0x0;
	s5 =	sld [smem:$0x3FAF]  }
0x2b: {  	s6 =	sld [smem:$0x3FB0]  }
0x2c: {  	s7 =	sld [smem:$0x3FB1]  }
0x2d: {  	s3 =	simm.s32 $0x108;
	s8 =	sld [smem:$0x3FB2]  }
0x2e: {  	s3 =	simm.s32 @!p0 $0x1082;
	s9 =	sld [smem:$0x3FB3]  }
0x2f: {  	lr =	sadd.s32 s0, s3;
	s0 =	sld [smem:$0x3FAA]  }
0x30: {  	s3 =	sld [smem:$0x3FAD]  }
0x31: {  	[smem:$0x3FB6] =	sst s10  }
0x32: {  	s10 =	sld [smem:$0x3FB4];
	_ =	sdelay $0x3  }
0x33: {  	p0 =	seq.s32 s10, $0x1;
	s10 =	sld [smem:$0x3FB6];
	_ =	sdelay $0x3  }
0x34: {  	[smem:$0x3FB6] =	sst s10  }
0x35: {  	s10 =	sld [smem:$0x3FB5];
	_ =	sdelay $0x3  }
0x36: {  	p1 =	seq.s32 s10, $0x1;
	s10 =	sld [smem:$0x3FB6];
	_ =	sdelay $0x3  }
0x37: {  	[smem:$0x3FB6] =	sst s10  }
0x38: {  	s10 =	sld [smem:$0x3FB7]  }
0x39: {  	_ = 	snop;
	(pc) =	sbr.ind lr, $3  }
0x3a: {  	_ = 	snop  }
0x3b: {  	_ = 	snop  }
0x3c: {  	p2 =	seq.s32 s10, $0x1;
	s10 =	sld [smem:$0x3FB6]  }
0x3d: {  	_ =	shalt  }
0x3e: {  	_ =	shalt  }
0x3f: {  	_ =	shalt  }
0x40: {  	_ =	shalt  }
0x41: {  	_ =	shalt  }
0x42: {  	_ =	shalt  }
0x43: {  	_ =	shalt  }
0x44: {  	_ =	shalt  }
0x45: {  	_ =	shalt  }
0x46: {  	_ =	shalt  }
0x47: {  	_ =	shalt  }
0x48: {  	_ =	shalt  }
0x49: {  	_ =	shalt  }
0x4a: {  	_ =	shalt  }
0x4b: {  	_ =	shalt  }
0x4c: {  	_ =	shalt  }
0x4d: {  	_ =	shalt  }
0x4e: {  	_ =	shalt  }
0x4f: {  	_ =	shalt  }
0x50: {  	_ =	shalt  }
0x51: {  	_ =	shalt  }
0x52: {  	_ =	shalt  }
0x53: {  	_ =	shalt  }
0x54: {  	_ =	shalt  }
0x55: {  	_ =	shalt  }
0x56: {  	_ =	shalt  }
0x57: {  	_ =	shalt  }
0x58: {  	_ =	shalt  }
0x59: {  	_ =	shalt  }
0x5a: {  	_ =	shalt  }
0x5b: {  	_ =	shalt  }
0x5c: {  	_ =	shalt  }
0x5d: {  	_ =	shalt  }
0x5e: {  	_ =	shalt  }
0x5f: {  	_ =	shalt  }
0x60: {  	_ =	shalt  }
0x61: {  	_ =	shalt  }
0x62: {  	_ =	shalt  }
0x63: {  	_ =	shalt  }
0x64: {  	_ =	shalt  }
0x65: {  	_ =	shalt  }
0x66: {  	_ =	shalt  }
0x67: {  	_ =	shalt  }
0x68: {  	_ =	shalt  }
0x69: {  	_ =	shalt  }
0x6a: {  	_ =	shalt  }
0x6b: {  	_ =	shalt  }
0x6c: {  	_ =	shalt  }
0x6d: {  	_ =	shalt  }
0x6e: {  	_ =	shalt  }
0x6f: {  	_ =	shalt  }
0x70: {  	_ =	shalt  }
0x71: {  	_ =	shalt  }
0x72: {  	_ =	shalt  }
0x73: {  	_ =	shalt  }
0x74: {  	_ =	shalt  }
0x75: {  	_ =	shalt  }
0x76: {  	_ =	shalt  }
0x77: {  	_ =	shalt  }
0x78: {  	_ =	shalt  }
0x79: {  	_ =	shalt  }
0x7a: {  	_ =	shalt  }
0x7b: {  	_ =	shalt  }
0x7c: {  	_ =	shalt  }
0x7d: {  	_ =	shalt  }
0x7e: {  	_ =	shalt  }
0x7f: {  	_ =	shalt  }
0x80: {  	_ =	shalt  }
0x81: {  	_ =	shalt  }
0x82: {  	_ =	shalt  }
0x83: {  	_ =	shalt  }
0x84: {  	_ =	shalt  }
0x85: {  	_ =	shalt  }
0x86: {  	_ =	shalt  }
0x87: {  	_ =	shalt  }
.Lfunc_end0:
.L_simem_size_0:
called_computation.1_lowered:
.L_overlay_start_0:
0x88: {  	s2 =	sld [smem:$0x3FD9]  }
0x89: {  	s3 =	sld [smem:$0x3FFE];
	_ =	sdelay $0x1  }
0x8a: {  	s1 =	srdreg.scid  }
0x8b: {  	s0 =	sand.u32 $0x1, s1  }
0x8c: {  	s16 =	sshll.u32 s0, $0xA;
	s2 =	sadd.s32 s3, s2  }
0x8d: {  	s2 =	sadd.s32 s2, s16  }
0x8e: {  	[smem:$0x3FC2] =	sst s2  }
0x8f: {  	_ = 	snop  }
0x90: {  	(tm) =	ssettm $0x1  }
0x91: {  	s17 =	sld [smem:$0x3FFB];
	_ =	sdelay $0x3  }
0x92: {  	_ =	strace s17  }
0x93: {  	s2 =	sld [smem:$0x3FFC];
	_ =	sdelay $0x3  }
0x94: {  	_ =	strace s2  }
0x95: {  	s2 =	sld [smem:$0x3FFD];
	_ =	sdelay $0x3  }
0x96: {  	_ =	strace s2  }
0x97: {  	_ =	strace $0x8FFFFFFF  }
0x98: {  	s18 =	sld [smem:$0x3FDB];
	_ =	sdelay $0x1  }
0x99: {  	s19 =	simm.s32 $_scs_section_size  }
0x9a: {  	s4 =	simm.s32 $_size__tile_overlayer_lowered;
	s5 =	simm.s32 $_tile_overlayer_lowered  }
0x9b: {  	s22 =	simm.s32 $0x1BFF;
	s21 =	sshll.u32 s5, $0x1;
	s2 =	sadd.s32 s19, s18  }
0x9c: {  	s6 =	simm.s32 $0x0;
	s20 =	sshll.u32 s4, $0x1;
	s4 =	sadd.s32 s21, s2  }
0x9d: {  	[timem:s6], [sflag:s22] =	dma.local [hbm:s4], s20  }
0x9e: {  	_ =	swait.ge [sflag:s22], s20  }
0x9f: {  	s3 =	ssub.s32 $0x0, s20;
	[sflag:s22] =	ssyncset.done $0x0  }
0xa0: {  	[sflag:s22] =	ssyncadd.s32 s3;
	_ =	sdelay $0x1  }
0xa1: {  	s23 =	simm.s32 $0x1B8B  }
0xa2: {  	_ =	swait.ge [sflag:s23], $0x1  }
0xa3: {  	[sflag:s23] =	ssyncset.done $0x0  }
0xa4: {  	s25 =	simm.s32 $0x1B8E;
	s24 =	sld [smem:$0x3FFE];
	[sflag:s23] =	ssyncadd.s32 $0xFFFFFFFF  }
0xa5: {  	s26 =	simm.s32 $execute0_lowered;
	[smem:$0x3FD2] =	sst s25  }
0xa6: {  	s4 =	sshll.u32 s26, $0x1;
	_ =	strace $0x80000049;
	[dreg:$0x1] =	wrdreg $0xFFFFFFFF  }
0xa7: {  	s28 =	simm.s32 $_size_execute0_lowered;
	s2 =	sadd.s32 s2, s4;
	[dreg:$0x0] =	wrdreg $0x0  }
0xa8: {  	s4 =	sshll.u32 s28, $0x1;
	[dreg:$0x2] =	wrdreg s2  }
0xa9: {  	[dreg:$0x3] =	wrdreg s4  }
0xaa: {  	[dreg:$0x4] =	wrdreg $0xC0  }
0xab: {  	_ =	task [dreg:s6], $0x5FFFF  }
0xac: {  	[dreg:$0x1] =	wrdreg $0xFFFFFFFF  }
0xad: {  	[dreg:$0x0] =	wrdreg $0x60  }
0xae: {  	[dreg:$0x2] =	wrdreg s24  }
0xaf: {  	[dreg:$0x3] =	wrdreg $0xB0000  }
0xb0: {  	[dreg:$0x4] =	wrdreg $0x9  }
0xb1: {  	_ =	task.clear_ibuf [dreg:s6], $0x5FFFF;
	_ =	strace $0x90000049  }
0xb2: {  	s29 =	simm.s32 $0x9;
	_ =	strace $0x8000004B  }
0xb3: {  	_ =	swait.ge [sflag:s29], $0x1  }
0xb4: {  	[sflag:s29] =	ssyncadd.s32 $0xFFFFFFFF  }
0xb5: {  	_ =	strace $0x9000004B  }
0xb6: {  	_ =	sfence  }
0xb7: {  	s30 =	sld [smem:$0x0];
	_ =	sdelay $0x2  }
0xb8: {  	s31 =	sshll.u32 s1, $0xD;
	s1 =	sshrl.u32 s1, $0x2  }
0xb9: {  	s3 =	sand.u32 $0x4000, s31;
	s1 =	sadd.s32 s1, s30  }
0xba: {  	s0 =	sor.u32 s3, s0;
	s1 =	sshll.u32 s1, $0x11  }
0xbb: {  	s0 =	sor.u32 s1, s0  }
0xbc: {  	s0 =	sadd.s32 $0x8F2B, s0  }
0xbd: {  	[sflag:s0] =	ssyncadd.remote.s32 $0x1  }
0xbe: {  	_ =	sfence.sel $0xFFFF  }
0xbf: {  	[dreg:$0x0] =	wrdreg $0xFFFFFFFF;
	(pc) =	sbr.abs _section_cstart, $3  }
0xc0: {  	[dreg:$0x1] =	wrdreg $0xFFFFFFFF  }
0xc1: {  	_ =	task.clear_ibuf [dreg:s6], $0x2FFFF;
	_ =	strace $0x9FFFFFFF  }
0xc2: {  	(tm) =	ssettm $0x7FFFFFFF  }
0xc3: {  	_ =	shalt  }
tec
execute0_lowered:
.L_overlay_start_1:
0x0: {  	(tag) =	ssettag $0x1  }
0x1: {  	s0 =	rddreg [dreg:$0x0]  }
0x2: {  	s2 =	rddreg [dreg:$0x1];
	s12 =	stileid.u32  }
0x3: {  	s1 =	srdreg.scid;
	s3 =	simm.s32 $0x0;
	s15 =	simm.s32 $0x80  }
0x4: {  	s16 =	simm.s32 $0x3000;
	s17 =	simm.s32 $0x7000;
	s18 =	simm.s32 $0x1  }
0x5: {  	s19 =	simm.s32 $0x100;
	s20 =	simm.s32 $0x2;
	s21 =	simm.s32 $0x180  }
0x6: {  	s22 =	simm.s32 $0x200;
	s23 =	simm.s32 $0x280;
	s28 =	simm.s32 $0x480  }
0x7: {  	s29 =	simm.s32 $0x500;
	s30 =	simm.s32 $0x580;
	s31 =	simm.s32 $0x600  }
0x8: {  	s4 =	smul.u32 $0x2800, s12;
	s1 =	sand.u32 $0x1, s1;
	[smem:$0x7FF] =	sst s3  }
0x9: {  	s8 =	smul.u32 $0x280, s12;
	s5 =	sadd.s32 $0x83E00, s0;
	s6 =	sadd.s32 $0x1E00, s0  }
0xa: {  	s10 =	smul.u32 $0x50000, s12;
	s26 =	sshll.u32 s12, $0x6;
	s12 =	simm.s32 $0x3  }
0xb: {  	s7 =	smul.u32 $0x2800, s1;
	_ =	strace $0x8000004A;
	s1 =	ssub.s32 $0x2, s1  }
0xc: {  	s9 =	sshrl.u32 s4, $0x3;
	s11 =	sshrl.u32 s1, $0x1;
	s10 =	sshrl.u32 s10, $0x2  }
0xd: {  	s8 =	sadd.s32 s8, s7;
	s9 =	sadd.s32 s9, s0;
	s1 =	ssub.s32 s1, s11  }
0xe: {  	s24 =	sadd.s32 s10, s2;
	s10 =	sor.u32 $0x1C03, s26;
	s26 =	simm.s32 $0x400  }
0xf: {  	v0 =	vmov s7;
	s11 =	simm.s32 $0x780;
	s7 =	simm.s32 $0x0;
	s9 =	sadd.s32 $0x6E00, s9  }
0x10: {  	s8 =	sshll.u32 s8, $0x4;
	s25 =	smax.u32 s1, $0x1;
	[dreg:$0x3] =	wrdreg s9  }
0x11: {  	s13 =	sshrl.u32 s24, $0x3;
	s24 =	simm.s32 $0x300;
	[dreg:$0x6] =	wrdreg s25  }
0x12: {  	s0 =	sadd.s32 s8, s0;
	s8 =	sadd.s32 s5, s8;
	[dreg:$0x7] =	wrdreg s13  }
0x13: {  	s1 =	simm.s32 $0x700;
	[dreg:$0x4] =	wrdreg s8;
	s0 =	sadd.s32 $0xD3E00, s0  }
0x14: {  	s25 =	simm.s32 $0x380;
	[dreg:$0x5] =	wrdreg s0;
	s0 =	simm.s32 $0x680  }
.LBB2_1:
0x15: {  	s8 =	rddreg [dreg:$0x3];
	s9 =	simm.s32 $0x800  }
0x16: {  	[tilespmem:s9], [sflag:$0x3] =	stream.linear.gather [hbm4b:s8+s3], $0x2800, $0x38;
	[tilespmem:$0x1F000] =	vst v63  }
0x17: {  	_ =	swait.ge [sflag:s12], $0x2800  }
0x18: {  	[sflag:s12] =	ssyncset.done $0x0  }
0x19: {  	s9 =	rddreg [dreg:$0x4];
	[sflag:s12] =	ssyncadd.s32 $0xFFFFD800  }
0x1a: {  	[spmem:s13], [sflag:s10] =	dma.local [hbm:s9], $0x2800  }
0x1b: {  	_ =	swait.ge [sflag:s12], $0x2800  }
0x1c: {  	[sflag:s12] =	ssyncset.done $0x0  }
0x1d: {  	[sflag:s12] =	ssyncadd.s32 $0xFFFFD800  }
0x1e: {  	s14 =	smov.u32 s10;
	s8 =	simm.s32 $0x0;
	[bflag:$0x0] =	sbarrier.arrive $0xFFFF  }
.LBB2_2:
0x1f: {  	s9 =	sshll.u32 s8, $0xB  }
0x20: {  	s10 =	sadd.s32 s4, s9  }
0x21: {  	s10 =	sshrl.u32 s10, $0x3  }
0x22: {  	s13 =	simm.s32 $0x0;
	s10 =	sadd.s32 s6, s10  }
0x23: {  	[tilespmem:s13], [sflag:$0x3] =	stream.linear.gather [hbm4b:s10+s13], $0x800, $0x38;
	[tilespmem:$0x1F000] =	vst v63  }
0x24: {  	_ =	swait.ge [sflag:s12], $0x800  }
0x25: {  	[sflag:s12] =	ssyncset.done $0x0  }
0x26: {  	s10 =	simm.s32 $0x0;
	s13 =	simm.s32 $0x40;
	[sflag:s12] =	ssyncadd.s32 $0xFFFFF800  }
.LBB2_3:
0x27: {  	p0 =	sne.s32 s13, $0x1FC0;
	v1 =	vld [tilespmem:s10+$0x0];
	_ =	sdelay $0x1  }
.Ltmp0:
0x28: {  	(pc) =	sbr.rel @p0 .LBB2_3-.Ltmp0, $3  }
0x29: {  	_ =	sdelay $0x1  }
0x2a: {  	v1 =	vadd.s32 v0, v1  }
0x2b: {  	[tilespmem:s10+$0x0] =	vst v1;
	s10 =	sshra.s32 s13, $0x2;
	s13 =	sadd.s32 $0x40, s13  }
0x2c: {  	v1 =	vld [tilespmem:s10+$0x0];
	_ =	sdelay $0x4  }
0x2d: {  	v1 =	vadd.s32 v0, v1  }
0x2e: {  	[tilespmem:s10+$0x0] =	vst v1  }
0x2f: {  	[tilespmem:s16], [sflag:$0x1] =	stream.indirect.gather [hbm4b:s5+s15], $0x80, s3, s15, $0xb8;
	[tilespmem:$0x1F000] =	vst v63  }
0x30: {  	_ = 	snop  }
0x31: {  	[tilespmem:s17], [sflag:$0x2] =	stream.indirect.gather [hbm4b:s5+s15], $0x80, s15, s15, $0xb8;
	[tilespmem:$0x1F000] =	vst v63  }
0x32: {  	_ =	swait.ge [sflag:s18], $0x4000  }
0x33: {  	s9 =	sand.u32 $0x3FFFF800, s9;
	[sflag:s18] =	ssyncset.done $0x0  }
0x34: {  	s13 =	sadd.s32 $0x800, s9;
	[sflag:s18] =	ssyncadd.s32 $0xFFFFC000  }
0x35: {  	[spmem:s2] =	stream.indirect.scatter.add.f32 [tilespmem:s16], [sflag:$0x3], $0x80, s13, s15, $0xb8;
	[tilespmem:$0x1F000] =	vst v63  }
0x36: {  	_ =	swait.ge [sflag:s12], $0x4000  }
0x37: {  	[sflag:s12] =	ssyncset.done $0x0  }
0x38: {  	[sflag:s12] =	ssyncadd.s32 $0xFFFFC000  }
0x39: {  	[tilespmem:s16], [sflag:$0x1] =	stream.indirect.gather [hbm4b:s5+s15], $0x80, s19, s15, $0xb8;
	[tilespmem:$0x1F000] =	vst v63  }
0x3a: {  	_ =	swait.ge [sflag:s20], $0x4000  }
0x3b: {  	[sflag:s20] =	ssyncset.done $0x0  }
0x3c: {  	s13 =	sadd.s32 $0x880, s9;
	[sflag:s20] =	ssyncadd.s32 $0xFFFFC000  }
0x3d: {  	[spmem:s2] =	stream.indirect.scatter.add.f32 [tilespmem:s17], [sflag:$0x3], $0x80, s13, s15, $0xb8;
	[tilespmem:$0x1F000] =	vst v63  }
0x3e: {  	_ =	swait.ge [sflag:s12], $0x4000  }
0x3f: {  	[sflag:s12] =	ssyncset.done $0x0  }
0x40: {  	[sflag:s12] =	ssyncadd.s32 $0xFFFFC000  }
0x41: {  	[tilespmem:s17], [sflag:$0x2] =	stream.indirect.gather [hbm4b:s5+s15], $0x80, s21, s15, $0xb8;
	[tilespmem:$0x1F000] =	vst v63  }
0x42: {  	_ =	swait.ge [sflag:s18], $0x4000  }
0x43: {  	[sflag:s18] =	ssyncset.done $0x0  }
0x44: {  	s13 =	sadd.s32 $0x900, s9;
	[sflag:s18] =	ssyncadd.s32 $0xFFFFC000  }
0x45: {  	[spmem:s2] =	stream.indirect.scatter.add.f32 [tilespmem:s16], [sflag:$0x3], $0x80, s13, s15, $0xb8;
	[tilespmem:$0x1F000] =	vst v63  }
0x46: {  	_ =	swait.ge [sflag:s12], $0x4000  }
0x47: {  	[sflag:s12] =	ssyncset.done $0x0  }
0x48: {  	[sflag:s12] =	ssyncadd.s32 $0xFFFFC000  }
0x49: {  	[tilespmem:s16], [sflag:$0x1] =	stream.indirect.gather [hbm4b:s5+s15], $0x80, s22, s15, $0xb8;
	[tilespmem:$0x1F000] =	vst v63  }
0x4a: {  	_ =	swait.ge [sflag:s20], $0x4000  }
0x4b: {  	[sflag:s20] =	ssyncset.done $0x0  }
0x4c: {  	s13 =	sadd.s32 $0x980, s9;
	[sflag:s20] =	ssyncadd.s32 $0xFFFFC000  }
0x4d: {  	[spmem:s2] =	stream.indirect.scatter.add.f32 [tilespmem:s17], [sflag:$0x3], $0x80, s13, s15, $0xb8;
	[tilespmem:$0x1F000] =	vst v63  }
0x4e: {  	_ =	swait.ge [sflag:s12], $0x4000  }
0x4f: {  	[sflag:s12] =	ssyncset.done $0x0  }
0x50: {  	[sflag:s12] =	ssyncadd.s32 $0xFFFFC000  }
0x51: {  	[tilespmem:s17], [sflag:$0x2] =	stream.indirect.gather [hbm4b:s5+s15], $0x80, s23, s15, $0xb8;
	[tilespmem:$0x1F000] =	vst v63  }
0x52: {  	_ =	swait.ge [sflag:s18], $0x4000  }
0x53: {  	[sflag:s18] =	ssyncset.done $0x0  }
0x54: {  	s13 =	sadd.s32 $0xA00, s9;
	[sflag:s18] =	ssyncadd.s32 $0xFFFFC000  }
0x55: {  	[spmem:s2] =	stream.indirect.scatter.add.f32 [tilespmem:s16], [sflag:$0x3], $0x80, s13, s15, $0xb8;
	[tilespmem:$0x1F000] =	vst v63  }
0x56: {  	_ =	swait.ge [sflag:s12], $0x4000  }
0x57: {  	[sflag:s12] =	ssyncset.done $0x0  }
0x58: {  	[sflag:s12] =	ssyncadd.s32 $0xFFFFC000  }
0x59: {  	[tilespmem:s16], [sflag:$0x1] =	stream.indirect.gather [hbm4b:s5+s15], $0x80, s24, s15, $0xb8;
	[tilespmem:$0x1F000] =	vst v63  }
0x5a: {  	_ =	swait.ge [sflag:s20], $0x4000  }
0x5b: {  	[sflag:s20] =	ssyncset.done $0x0  }
0x5c: {  	s13 =	sadd.s32 $0xA80, s9;
	[sflag:s20] =	ssyncadd.s32 $0xFFFFC000  }
0x5d: {  	[spmem:s2] =	stream.indirect.scatter.add.f32 [tilespmem:s17], [sflag:$0x3], $0x80, s13, s15, $0xb8;
	[tilespmem:$0x1F000] =	vst v63  }
0x5e: {  	_ =	swait.ge [sflag:s12], $0x4000  }
0x5f: {  	[sflag:s12] =	ssyncset.done $0x0  }
0x60: {  	[sflag:s12] =	ssyncadd.s32 $0xFFFFC000  }
0x61: {  	[tilespmem:s17], [sflag:$0x2] =	stream.indirect.gather [hbm4b:s5+s15], $0x80, s25, s15, $0xb8;
	[tilespmem:$0x1F000] =	vst v63  }
0x62: {  	_ =	swait.ge [sflag:s18], $0x4000  }
0x63: {  	[sflag:s18] =	ssyncset.done $0x0  }
0x64: {  	s13 =	sadd.s32 $0xB00, s9;
	[sflag:s18] =	ssyncadd.s32 $0xFFFFC000  }
0x65: {  	[spmem:s2] =	stream.indirect.scatter.add.f32 [tilespmem:s16], [sflag:$0x3], $0x80, s13, s15, $0xb8;
	[tilespmem:$0x1F000] =	vst v63  }
0x66: {  	_ =	swait.ge [sflag:s12], $0x4000  }
0x67: {  	[sflag:s12] =	ssyncset.done $0x0  }
0x68: {  	[sflag:s12] =	ssyncadd.s32 $0xFFFFC000  }
0x69: {  	[tilespmem:s16], [sflag:$0x1] =	stream.indirect.gather [hbm4b:s5+s15], $0x80, s26, s15, $0xb8;
	[tilespmem:$0x1F000] =	vst v63  }
0x6a: {  	_ =	swait.ge [sflag:s20], $0x4000  }
0x6b: {  	[sflag:s20] =	ssyncset.done $0x0  }
0x6c: {  	s13 =	sadd.s32 $0xB80, s9;
	[sflag:s20] =	ssyncadd.s32 $0xFFFFC000  }
0x6d: {  	[spmem:s2] =	stream.indirect.scatter.add.f32 [tilespmem:s17], [sflag:$0x3], $0x80, s13, s15, $0xb8;
	[tilespmem:$0x1F000] =	vst v63  }
0x6e: {  	_ =	swait.ge [sflag:s12], $0x4000  }
0x6f: {  	[sflag:s12] =	ssyncset.done $0x0  }
0x70: {  	[sflag:s12] =	ssyncadd.s32 $0xFFFFC000  }
0x71: {  	[tilespmem:s17], [sflag:$0x2] =	stream.indirect.gather [hbm4b:s5+s15], $0x80, s28, s15, $0xb8;
	[tilespmem:$0x1F000] =	vst v63  }
0x72: {  	_ =	swait.ge [sflag:s18], $0x4000  }
0x73: {  	[sflag:s18] =	ssyncset.done $0x0  }
0x74: {  	s13 =	sadd.s32 $0xC00, s9;
	[sflag:s18] =	ssyncadd.s32 $0xFFFFC000  }
0x75: {  	[spmem:s2] =	stream.indirect.scatter.add.f32 [tilespmem:s16], [sflag:$0x3], $0x80, s13, s15, $0xb8;
	[tilespmem:$0x1F000] =	vst v63  }
0x76: {  	_ =	swait.ge [sflag:s12], $0x4000  }
0x77: {  	[sflag:s12] =	ssyncset.done $0x0  }
0x78: {  	[sflag:s12] =	ssyncadd.s32 $0xFFFFC000  }
0x79: {  	[tilespmem:s16], [sflag:$0x1] =	stream.indirect.gather [hbm4b:s5+s15], $0x80, s29, s15, $0xb8;
	[tilespmem:$0x1F000] =	vst v63  }
0x7a: {  	_ =	swait.ge [sflag:s20], $0x4000  }
0x7b: {  	[sflag:s20] =	ssyncset.done $0x0  }
0x7c: {  	s13 =	sadd.s32 $0xC80, s9;
	[sflag:s20] =	ssyncadd.s32 $0xFFFFC000  }
0x7d: {  	[spmem:s2] =	stream.indirect.scatter.add.f32 [tilespmem:s17], [sflag:$0x3], $0x80, s13, s15, $0xb8;
	[tilespmem:$0x1F000] =	vst v63  }
0x7e: {  	_ =	swait.ge [sflag:s12], $0x4000  }
0x7f: {  	[sflag:s12] =	ssyncset.done $0x0  }
0x80: {  	[sflag:s12] =	ssyncadd.s32 $0xFFFFC000  }
0x81: {  	[tilespmem:s17], [sflag:$0x2] =	stream.indirect.gather [hbm4b:s5+s15], $0x80, s30, s15, $0xb8;
	[tilespmem:$0x1F000] =	vst v63  }
0x82: {  	_ =	swait.ge [sflag:s18], $0x4000  }
0x83: {  	[sflag:s18] =	ssyncset.done $0x0  }
0x84: {  	s13 =	sadd.s32 $0xD00, s9;
	[sflag:s18] =	ssyncadd.s32 $0xFFFFC000  }
0x85: {  	[spmem:s2] =	stream.indirect.scatter.add.f32 [tilespmem:s16], [sflag:$0x3], $0x80, s13, s15, $0xb8;
	[tilespmem:$0x1F000] =	vst v63  }
0x86: {  	_ =	swait.ge [sflag:s12], $0x4000  }
0x87: {  	[sflag:s12] =	ssyncset.done $0x0  }
0x88: {  	[sflag:s12] =	ssyncadd.s32 $0xFFFFC000  }
0x89: {  	[tilespmem:s16], [sflag:$0x1] =	stream.indirect.gather [hbm4b:s5+s15], $0x80, s31, s15, $0xb8;
	[tilespmem:$0x1F000] =	vst v63  }
0x8a: {  	_ =	swait.ge [sflag:s20], $0x4000  }
0x8b: {  	[sflag:s20] =	ssyncset.done $0x0  }
0x8c: {  	s13 =	sadd.s32 $0xD80, s9;
	[sflag:s20] =	ssyncadd.s32 $0xFFFFC000  }
0x8d: {  	[spmem:s2] =	stream.indirect.scatter.add.f32 [tilespmem:s17], [sflag:$0x3], $0x80, s13, s15, $0xb8;
	[tilespmem:$0x1F000] =	vst v63  }
0x8e: {  	_ =	swait.ge [sflag:s12], $0x4000  }
0x8f: {  	[sflag:s12] =	ssyncset.done $0x0  }
0x90: {  	[sflag:s12] =	ssyncadd.s32 $0xFFFFC000  }
0x91: {  	[tilespmem:s17], [sflag:$0x2] =	stream.indirect.gather [hbm4b:s5+s15], $0x80, s0, s15, $0xb8;
	[tilespmem:$0x1F000] =	vst v63  }
0x92: {  	_ =	swait.ge [sflag:s18], $0x4000  }
0x93: {  	[sflag:s18] =	ssyncset.done $0x0  }
0x94: {  	s13 =	sadd.s32 $0xE00, s9;
	[sflag:s18] =	ssyncadd.s32 $0xFFFFC000  }
0x95: {  	[spmem:s2] =	stream.indirect.scatter.add.f32 [tilespmem:s16], [sflag:$0x3], $0x80, s13, s15, $0xb8;
	[tilespmem:$0x1F000] =	vst v63  }
0x96: {  	_ =	swait.ge [sflag:s12], $0x4000  }
0x97: {  	[sflag:s12] =	ssyncset.done $0x0  }
0x98: {  	[sflag:s12] =	ssyncadd.s32 $0xFFFFC000  }
0x99: {  	[tilespmem:s16], [sflag:$0x1] =	stream.indirect.gather [hbm4b:s5+s15], $0x80, s1, s15, $0xb8;
	[tilespmem:$0x1F000] =	vst v63  }
0x9a: {  	_ =	swait.ge [sflag:s20], $0x4000  }
0x9b: {  	[sflag:s20] =	ssyncset.done $0x0  }
0x9c: {  	s13 =	sadd.s32 $0xE80, s9;
	[sflag:s20] =	ssyncadd.s32 $0xFFFFC000  }
0x9d: {  	[spmem:s2] =	stream.indirect.scatter.add.f32 [tilespmem:s17], [sflag:$0x3], $0x80, s13, s15, $0xb8;
	[tilespmem:$0x1F000] =	vst v63  }
0x9e: {  	_ =	swait.ge [sflag:s12], $0x4000  }
0x9f: {  	[sflag:s12] =	ssyncset.done $0x0  }
0xa0: {  	[sflag:s12] =	ssyncadd.s32 $0xFFFFC000  }
0xa1: {  	[tilespmem:s17], [sflag:$0x2] =	stream.indirect.gather [hbm4b:s5+s15], $0x80, s11, s15, $0xb8;
	[tilespmem:$0x1F000] =	vst v63  }
0xa2: {  	_ =	swait.ge [sflag:s18], $0x4000  }
0xa3: {  	[sflag:s18] =	ssyncset.done $0x0  }
0xa4: {  	s13 =	sadd.s32 $0xF00, s9;
	[sflag:s18] =	ssyncadd.s32 $0xFFFFC000  }
0xa5: {  	[spmem:s2] =	stream.indirect.scatter.add.f32 [tilespmem:s16], [sflag:$0x3], $0x80, s13, s15, $0xb8;
	[tilespmem:$0x1F000] =	vst v63  }
0xa6: {  	_ =	swait.ge [sflag:s12], $0x4000  }
0xa7: {  	[sflag:s12] =	ssyncset.done $0x0  }
0xa8: {  	[sflag:s12] =	ssyncadd.s32 $0xFFFFC000  }
0xa9: {  	s8 =	sadd.s32 $0x1, s8;
	_ =	swait.ge [sflag:s20], $0x4000  }
0xaa: {  	p0 =	sne.s32 s8, $0x5;
	[sflag:s20] =	ssyncset.done $0x0  }
.Ltmp1:
0xab: {  	s9 =	sadd.s32 $0xF80, s9;
	[sflag:s20] =	ssyncadd.s32 $0xFFFFC000;
	(pc) =	sbr.rel @p0 .LBB2_2-.Ltmp1, $4  }
0xac: {  	[spmem:s2] =	stream.indirect.scatter.add.f32 [tilespmem:s17], [sflag:$0x3], $0x80, s9, s15, $0xb8;
	[tilespmem:$0x1F000] =	vst v63  }
0xad: {  	_ =	swait.ge [sflag:s12], $0x4000  }
0xae: {  	[sflag:s12] =	ssyncset.done $0x0  }
0xaf: {  	[sflag:s12] =	ssyncadd.s32 $0xFFFFC000  }
0xb0: {  	[bflag:$0x0] =	sbarrier.arrive $0xFFFF  }
0xb1: {  	s8 =	rddreg [dreg:$0x5]  }
0xb2: {  	s13 =	rddreg [dreg:$0x7]  }
0xb3: {  	[hbm:s8], [sflag:s14] =	dma.local [spmem:s13], $0x2800  }
0xb4: {  	_ =	swait.ge [sflag:s12], $0x2800  }
0xb5: {  	s10 =	smov.u32 s14;
	s7 =	sadd.s32 $0x1, s7;
	s14 =	rddreg [dreg:$0x6]  }
0xb6: {  	p0 =	sne.s32 s7, s14  }
.Ltmp2:
0xb7: {  	_ = 	snop;
	(pc) =	sbr.rel @p0 .LBB2_1-.Ltmp2, $3  }
0xb8: {  	_ =	sdelay $0x1  }
0xb9: {  	[sflag:s12] =	ssyncset.done $0x0  }
0xba: {  	[sflag:s12] =	ssyncadd.s32 $0xFFFFD800  }
0xbb: {  	_ =	sfence.sel $0x180000  }
0xbc: {  	[bflag:$0x0] =	sbarrier.arrive $0xFFFF  }
0xbd: {  	_ =	strace $0x9000004A  }
0xbe: {  	s0 =	stileid.u32;
	[bflag:$0x2] =	sbarrier.arrive $0xFFFF  }
0xbf: {  	p0 =	sne.s32 s0, $0x0;
	s0 =	rddreg [dreg:$0x2]  }
0xc0: {  	s0 =	sadd.s32 @!p0 $0x100000, s0  }
0xc1: {  	[sflag:s0] =	ssyncadd.tile.s32 @!p0 $0x1;
	_ =	shalt  }
.Lfunc_end2:
_tile_overlayer_lowered:
.L_overlay_start_2:
0xc2: {  	(tag) =	ssettag $0x2  }
0xc3: {  	s0 =	rddreg [dreg:$0x0];
	s2 =	stileid.u32  }
0xc4: {  	s1 =	rddreg [dreg:$0x1];
	p0 =	sne.s32 s2, $0x0  }
0xc5: {  	s3 =	rddreg [dreg:$0x2];
	[bflag:$0x3] =	sbarrier.arrive $0xFFFF;
	s2 =	simm.s32 @!p0 $0x1C03  }
0xc6: {  	[timem:s3], [sflag:s2] =	dma.local @!p0 [hbm:s0], s1  }
0xc7: {  	s0 =	simm.s32 @!p0 $0x3  }
0xc8: {  	_ =	swait.ge @!p0 [sflag:s0], s1  }
0xc9: {  	s1 =	ssub.s32 @!p0 $0x0, s1;
	[sflag:s0] =	ssyncset.done @!p0 $0x0  }
0xca: {  	[sflag:s0] =	ssyncadd.s32 @!p0 s1  }
0xcb: {  	[bflag:$0x3] =	sbarrier.arrive $0xFFFF  }
0xcc: {  	_ =	shalt  }

// kernel: kernel.14.cloned.1.call-start
scs
__scs_entry_jumppad:
0x0: {  	(pc) =	sbr.rel $0x88, $3  }
0x1: {  	(tag) =	ssettag $0x0;
	lr =	simm.s32 $0x1  }
0x2: {  	[smem:$0x3F9B] =	sst lr;
	_ =	strace $0xD0000000  }
0x3: {  	_ = 	snop  }
0x4: {  	_ = 	snop  }
0x5: {  	_ = 	snop  }
0x6: {  	_ = 	snop  }
0x7: {  	_ = 	snop  }
__scs_overlays_trampoline_lowered:
0x8: {  	[smem:$0x3FAA] =	sst s0  }
0x9: {  	[smem:$0x3FAB] =	sst s1  }
0xa: {  	[smem:$0x3FAC] =	sst s2  }
0xb: {  	[smem:$0x3FAD] =	sst s3  }
0xc: {  	[smem:$0x3FAE] =	sst s4  }
0xd: {  	[smem:$0x3FAF] =	sst s5  }
0xe: {  	[smem:$0x3FB0] =	sst s6  }
0xf: {  	[smem:$0x3FB1] =	sst s7  }
0x10: {  	[smem:$0x3FB2] =	sst s8  }
0x11: {  	[smem:$0x3FB3] =	sst s9;
	s0 =	simm.s32 @!p0 $0x0  }
0x12: {  	s1 =	sld [smem:$0x3F99];
	s0 =	simm.s32 @p0 $0x1  }
0x13: {  	[smem:$0x3FB4] =	sst s0;
	s0 =	simm.s32 @!p1 $0x0  }
0x14: {  	s2 =	sld [smem:$0x3F98];
	s0 =	simm.s32 @p1 $0x1  }
0x15: {  	[smem:$0x3FB5] =	sst s0;
	s0 =	simm.s32 @!p2 $0x0  }
0x16: {  	s3 =	sld [smem:$0x3FDB];
	s0 =	simm.s32 @p2 $0x1  }
0x17: {  	s4 =	simm.s32 $0x1BF5;
	[smem:$0x3FB7] =	sst s0  }
0x18: {  	s0 =	sld [smem:$0x3F9A];
	_ =	swait.ge [sflag:s4], $0x0  }
0x19: {  	s7 =	sld [smem:$0x3F9B]  }
0x1a: {  	s8 =	sadd.s32 $0xFFFFE003, lr  }
0x1b: {  	s9 =	sadd.s32 $0xFFFFFEF7, lr;
	s5 =	simm.s32 $0xFFFFFFFF;
	p2 =	slt.u32 s8, $0xFFFFF086  }
0x1c: {  	p1 =	slt.u32 s9, $0xF7A;
	s5 =	simm.s32 @!p2 $0x0  }
0x1d: {  	s5 =	simm.s32 @p1 $0x1;
	p0 =	seq.s32 s7, s2  }
0x1e: {  	s7 =	smul.u32 @!p0 $0xF7A, s2;
	p2 =	seq.s32 @!p0 s5, $0x0  }
0x1f: {  	s9 =	smul.u32 $0xF7A, s1;
	s8 =	simm.s32 @!p0 $0x1BF5;
	p2 =	por !p2, p0  }
0x20: {  	[sflag:s8] =	ssyncset.s32 @!p0 $0xFFFFF086;
	s6 =	sadd.s32 @!p0 s3, s7;
	s7 =	simm.s32 @!p0 $0x108  }
0x21: {  	s3 =	sadd.s32 s3, s9;
	s6 =	sadd.s32 @!p0 $0x88, s6;
	s7 =	simm.s32 @p2 $0x1082  }
0x22: {  	[simem:s7], [sflag:s8] =	dma.local @!p0 [hbm:s6], $0xF7A  }
0x23: {  	s9 =	sor.u32 $0xD0000000, s2;
	s6 =	simm.s32 $0x108;
	_ =	swait.ge @!p0 [sflag:s8], $0x0  }
0x24: {  	s3 =	sadd.s32 $0x88, s3;
	s6 =	simm.s32 @!p1 $0x1082;
	[sflag:s4] =	ssyncset.s32 $0xFFFFF086  }
0x25: {  	[simem:s6], [sflag:s4] =	dma.local [hbm:s3], $0xF7A  }
0x26: {  	[smem:$0x3F9B] =	sst s1;
	(tag) =	ssettag s2;
	_ =	strace s9  }
0x27: {  	s1 =	sld [smem:$0x3FAB]  }
0x28: {  	s2 =	sld [smem:$0x3FAC]  }
0x29: {  	s4 =	sld [smem:$0x3FAE]  }
0x2a: {  	p0 =	seq.s32 s5, $0x0;
	s5 =	sld [smem:$0x3FAF]  }
0x2b: {  	s6 =	sld [smem:$0x3FB0]  }
0x2c: {  	s7 =	sld [smem:$0x3FB1]  }
0x2d: {  	s3 =	simm.s32 $0x108;
	s8 =	sld [smem:$0x3FB2]  }
0x2e: {  	s3 =	simm.s32 @!p0 $0x1082;
	s9 =	sld [smem:$0x3FB3]  }
0x2f: {  	lr =	sadd.s32 s0, s3;
	s0 =	sld [smem:$0x3FAA]  }
0x30: {  	s3 =	sld [smem:$0x3FAD]  }
0x31: {  	[smem:$0x3FB6] =	sst s10  }
0x32: {  	s10 =	sld [smem:$0x3FB4];
	_ =	sdelay $0x3  }
0x33: {  	p0 =	seq.s32 s10, $0x1;
	s10 =	sld [smem:$0x3FB6];
	_ =	sdelay $0x3  }
0x34: {  	[smem:$0x3FB6] =	sst s10  }
0x35: {  	s10 =	sld [smem:$0x3FB5];
	_ =	sdelay $0x3  }
0x36: {  	p1 =	seq.s32 s10, $0x1;
	s10 =	sld [smem:$0x3FB6];
	_ =	sdelay $0x3  }
0x37: {  	[smem:$0x3FB6] =	sst s10  }
0x38: {  	s10 =	sld [smem:$0x3FB7]  }
0x39: {  	_ = 	snop;
	(pc) =	sbr.ind lr, $3  }
0x3a: {  	_ = 	snop  }
0x3b: {  	_ = 	snop  }
0x3c: {  	p2 =	seq.s32 s10, $0x1;
	s10 =	sld [smem:$0x3FB6]  }
0x3d: {  	_ =	shalt  }
0x3e: {  	_ =	shalt  }
0x3f: {  	_ =	shalt  }
0x40: {  	_ =	shalt  }
0x41: {  	_ =	shalt  }
0x42: {  	_ =	shalt  }
0x43: {  	_ =	shalt  }
0x44: {  	_ =	shalt  }
0x45: {  	_ =	shalt  }
0x46: {  	_ =	shalt  }
0x47: {  	_ =	shalt  }
0x48: {  	_ =	shalt  }
0x49: {  	_ =	shalt  }
0x4a: {  	_ =	shalt  }
0x4b: {  	_ =	shalt  }
0x4c: {  	_ =	shalt  }
0x4d: {  	_ =	shalt  }
0x4e: {  	_ =	shalt  }
0x4f: {  	_ =	shalt  }
0x50: {  	_ =	shalt  }
0x51: {  	_ =	shalt  }
0x52: {  	_ =	shalt  }
0x53: {  	_ =	shalt  }
0x54: {  	_ =	shalt  }
0x55: {  	_ =	shalt  }
0x56: {  	_ =	shalt  }
0x57: {  	_ =	shalt  }
0x58: {  	_ =	shalt  }
0x59: {  	_ =	shalt  }
0x5a: {  	_ =	shalt  }
0x5b: {  	_ =	shalt  }
0x5c: {  	_ =	shalt  }
0x5d: {  	_ =	shalt  }
0x5e: {  	_ =	shalt  }
0x5f: {  	_ =	shalt  }
0x60: {  	_ =	shalt  }
0x61: {  	_ =	shalt  }
0x62: {  	_ =	shalt  }
0x63: {  	_ =	shalt  }
0x64: {  	_ =	shalt  }
0x65: {  	_ =	shalt  }
0x66: {  	_ =	shalt  }
0x67: {  	_ =	shalt  }
0x68: {  	_ =	shalt  }
0x69: {  	_ =	shalt  }
0x6a: {  	_ =	shalt  }
0x6b: {  	_ =	shalt  }
0x6c: {  	_ =	shalt  }
0x6d: {  	_ =	shalt  }
0x6e: {  	_ =	shalt  }
0x6f: {  	_ =	shalt  }
0x70: {  	_ =	shalt  }
0x71: {  	_ =	shalt  }
0x72: {  	_ =	shalt  }
0x73: {  	_ =	shalt  }
0x74: {  	_ =	shalt  }
0x75: {  	_ =	shalt  }
0x76: {  	_ =	shalt  }
0x77: {  	_ =	shalt  }
0x78: {  	_ =	shalt  }
0x79: {  	_ =	shalt  }
0x7a: {  	_ =	shalt  }
0x7b: {  	_ =	shalt  }
0x7c: {  	_ =	shalt  }
0x7d: {  	_ =	shalt  }
0x7e: {  	_ =	shalt  }
0x7f: {  	_ =	shalt  }
0x80: {  	_ =	shalt  }
0x81: {  	_ =	shalt  }
0x82: {  	_ =	shalt  }
0x83: {  	_ =	shalt  }
0x84: {  	_ =	shalt  }
0x85: {  	_ =	shalt  }
0x86: {  	_ =	shalt  }
0x87: {  	_ =	shalt  }
.Lfunc_end0:
.L_simem_size_0:
called_computation.2_lowered:
.L_overlay_start_0:
0x88: {  	s2 =	sld [smem:$0x3FD9]  }
0x89: {  	s3 =	sld [smem:$0x3FFE];
	_ =	sdelay $0x1  }
0x8a: {  	s1 =	srdreg.scid  }
0x8b: {  	s0 =	sand.u32 $0x1, s1  }
0x8c: {  	s16 =	sshll.u32 s0, $0xA;
	s2 =	sadd.s32 s3, s2  }
0x8d: {  	s2 =	sadd.s32 s2, s16  }
0x8e: {  	[smem:$0x3FC2] =	sst s2  }
0x8f: {  	_ = 	snop  }
0x90: {  	(tm) =	ssettm $0x1  }
0x91: {  	s17 =	sld [smem:$0x3FFB];
	_ =	sdelay $0x3  }
0x92: {  	_ =	strace s17  }
0x93: {  	s2 =	sld [smem:$0x3FFC];
	_ =	sdelay $0x3  }
0x94: {  	_ =	strace s2  }
0x95: {  	s2 =	sld [smem:$0x3FFD];
	_ =	sdelay $0x3  }
0x96: {  	_ =	strace s2  }
0x97: {  	_ =	strace $0x8FFFFFFF  }
0x98: {  	s18 =	sld [smem:$0x3FDB];
	_ =	sdelay $0x1  }
0x99: {  	s19 =	simm.s32 $_scs_section_size  }
0x9a: {  	s4 =	simm.s32 $_size__tile_overlayer_lowered;
	s5 =	simm.s32 $_tile_overlayer_lowered  }
0x9b: {  	s22 =	simm.s32 $0x1BFF;
	s21 =	sshll.u32 s5, $0x1;
	s2 =	sadd.s32 s19, s18  }
0x9c: {  	s6 =	simm.s32 $0x0;
	s20 =	sshll.u32 s4, $0x1;
	s4 =	sadd.s32 s21, s2  }
0x9d: {  	[timem:s6], [sflag:s22] =	dma.local [hbm:s4], s20  }
0x9e: {  	_ =	swait.ge [sflag:s22], s20  }
0x9f: {  	s3 =	ssub.s32 $0x0, s20;
	[sflag:s22] =	ssyncset.done $0x0  }
0xa0: {  	[sflag:s22] =	ssyncadd.s32 s3;
	_ =	sdelay $0x1  }
0xa1: {  	s23 =	simm.s32 $0x1B8B  }
0xa2: {  	_ =	swait.ge [sflag:s23], $0x1  }
0xa3: {  	[sflag:s23] =	ssyncset.done $0x0  }
0xa4: {  	s25 =	simm.s32 $0x1B8E;
	s24 =	sld [smem:$0x3FFE];
	[sflag:s23] =	ssyncadd.s32 $0xFFFFFFFF  }
0xa5: {  	s26 =	simm.s32 $execute0_lowered;
	[smem:$0x3FD2] =	sst s25  }
0xa6: {  	s4 =	sshll.u32 s26, $0x1;
	_ =	strace $0x8000004C;
	[dreg:$0x1] =	wrdreg $0xFFFFFFFF  }
0xa7: {  	s28 =	simm.s32 $_size_execute0_lowered;
	s2 =	sadd.s32 s2, s4;
	[dreg:$0x0] =	wrdreg $0x0  }
0xa8: {  	s4 =	sshll.u32 s28, $0x1;
	[dreg:$0x2] =	wrdreg s2  }
0xa9: {  	[dreg:$0x3] =	wrdreg s4  }
0xaa: {  	[dreg:$0x4] =	wrdreg $0xC0  }
0xab: {  	_ =	task [dreg:s6], $0x5FFFF  }
0xac: {  	[dreg:$0x1] =	wrdreg $0xFFFFFFFF  }
0xad: {  	[dreg:$0x0] =	wrdreg $0x60  }
0xae: {  	[dreg:$0x2] =	wrdreg s24  }
0xaf: {  	[dreg:$0x3] =	wrdreg $0x99000  }
0xb0: {  	[dreg:$0x4] =	wrdreg $0x9  }
0xb1: {  	_ =	task.clear_ibuf [dreg:s6], $0x5FFFF;
	_ =	strace $0x9000004C  }
0xb2: {  	s29 =	simm.s32 $0x9;
	_ =	strace $0x8000004E  }
0xb3: {  	_ =	swait.ge [sflag:s29], $0x1  }
0xb4: {  	[sflag:s29] =	ssyncadd.s32 $0xFFFFFFFF  }
0xb5: {  	_ =	strace $0x9000004E  }
0xb6: {  	_ =	sfence  }
0xb7: {  	s30 =	sld [smem:$0x0];
	_ =	sdelay $0x2  }
0xb8: {  	s31 =	sshll.u32 s1, $0xD;
	s1 =	sshrl.u32 s1, $0x2  }
0xb9: {  	s3 =	sand.u32 $0x4000, s31;
	s1 =	sadd.s32 s1, s30  }
0xba: {  	s0 =	sor.u32 s3, s0;
	s1 =	sshll.u32 s1, $0x11  }
0xbb: {  	s0 =	sor.u32 s1, s0  }
0xbc: {  	s0 =	sadd.s32 $0x8F2B, s0  }
0xbd: {  	[sflag:s0] =	ssyncadd.remote.s32 $0x1  }
0xbe: {  	_ =	sfence.sel $0xFFFF  }
0xbf: {  	[dreg:$0x0] =	wrdreg $0xFFFFFFFF;
	(pc) =	sbr.abs _section_cstart, $3  }
0xc0: {  	[dreg:$0x1] =	wrdreg $0xFFFFFFFF  }
0xc1: {  	_ =	task.clear_ibuf [dreg:s6], $0x2FFFF;
	_ =	strace $0x9FFFFFFF  }
0xc2: {  	(tm) =	ssettm $0x7FFFFFFF  }
0xc3: {  	_ =	shalt  }
tec
execute0_lowered:
.L_overlay_start_1:
0x0: {  	(tag) =	ssettag $0x1  }
0x1: {  	s0 =	srdreg.scid;
	s1 =	rddreg [dreg:$0x0]  }
0x2: {  	s14 =	stileid.u32;
	s2 =	rddreg [dreg:$0x1];
	s3 =	simm.s32 $0x0  }
0x3: {  	s16 =	simm.s32 $0x3;
	s19 =	simm.s32 $0x80;
	s20 =	simm.s32 $0x1900  }
0x4: {  	s21 =	simm.s32 $0x5900;
	s28 =	simm.s32 $0x280;
	s29 =	simm.s32 $0x300  }
0x5: {  	s30 =	simm.s32 $0x380;
	s31 =	simm.s32 $0x400;
	s7 =	smul.u32 $0x2800, s14  }
0x6: {  	s0 =	sand.u32 $0x1, s0;
	s5 =	sshll.u32 s14, $0x1;
	s9 =	smul.u32 $0x50000, s14  }
0x7: {  	[smem:$0x7FF] =	sst s3;
	s26 =	sshll.u32 s14, $0x6;
	s4 =	smul.u32 $0x1400, s0  }
0x8: {  	s5 =	sor.u32 s0, s5;
	_ =	strace $0x8000004D;
	s22 =	smul.u32 $0x28000, s0  }
0x9: {  	s8 =	ssub.s32 $0x2, s0;
	p0 =	sne.s32 s0, $0x0;
	s17 =	sor.u32 $0x1C03, s26  }
0xa: {  	s26 =	simm.s32 $0x200;
	s0 =	simm.s32 $0x0;
	s5 =	smul.u32 $0x1400, s5  }
0xb: {  	s11 =	sshrl.u32 s8, $0x1;
	s23 =	sshrl.u32 s9, $0x2;
	s4 =	sadd.s32 s4, s7  }
0xc: {  	s11 =	ssub.s32 s8, s11;
	s6 =	sshrl.u32 s4, $0x3;
	s4 =	sadd.s32 $0xBE00, s1  }
0xd: {  	s5 =	sshrl.u32 s5, $0x3;
	s9 =	smax.u32 s11, $0x1;
	s10 =	sadd.s32 s6, s1  }
0xe: {  	s5 =	sadd.s32 s5, s1;
	s6 =	sadd.s32 s7, s22;
	s7 =	sadd.s32 s4, s7  }
0xf: {  	s22 =	simm.s32 $0x1;
	s1 =	sadd.s32 s6, s1;
	s5 =	sadd.s32 $0x6E00, s5  }
0x10: {  	s6 =	sadd.s32 s23, s2;
	[dreg:$0x3] =	wrdreg s7;
	s7 =	sadd.s32 $0x1E00, s10  }
0x11: {  	s23 =	simm.s32 $0x100;
	s8 =	sadd.s32 $0x83E00, s1;
	s24 =	sadd.s32 $0x4000, s6  }
0x12: {  	s25 =	sadd.s32 $0x8000, s6;
	s12 =	sadd.s32 $0xC000, s6;
	s13 =	sadd.s32 $0x10000, s6  }
0x13: {  	s18 =	sshrl.u32 s6, $0x3;
	s1 =	simm.s32 $0x480;
	[dreg:$0x4] =	wrdreg s24  }
0x14: {  	v0 =	vimm.f32 $0.0e+00;
	[dreg:$0x5] =	wrdreg s25;
	s24 =	simm.s32 $0x2;
	s25 =	simm.s32 $0x180  }
.LBB2_1:
.Ltmp0:
0x15: {  	s10 =	simm.s32 $0x500;
	(pc) =	sbr.rel @p0 .LBB2_3-.Ltmp0, $4  }
0x16: {  	[tilespmem:s10], [sflag:$0x3] =	stream.linear.gather [hbm4b:s5+s3], $0x1400, $0x38;
	[tilespmem:$0x1D900] =	vst v63  }
0x17: {  	_ =	swait.ge [sflag:s16], $0x1400  }
0x18: {  	[sflag:s16] =	ssyncset.done $0x0  }
0x19: {  	[sflag:s16] =	ssyncadd.s32 $0xFFFFEC00  }
.Ltmp1:
0x1a: {  	s10 =	rddreg [dreg:$0x3];
	(pc) =	sbr.rel .LBB2_6-.Ltmp1, $4  }
0x1b: {  	[spmem:s18], [sflag:s17] =	dma.local [hbm:s10], $0x2800  }
0x1c: {  	_ =	swait.ge [sflag:s16], $0x2800  }
0x1d: {  	[sflag:s16] =	ssyncset.done $0x0  }
0x1e: {  	[sflag:s16] =	ssyncadd.s32 $0xFFFFD800  }
.LBB2_3:
0x1f: {  	s10 =	sshra.s32 s3, $0x2;
	s14 =	sadd.s32 $0x200, s3  }
.LBB2_4:
0x20: {  	p1 =	sne.s32 s14, $0xFE00;
	[tilespmem:s10+$0x1970] =	vst v0  }
0x21: {  	[tilespmem:s10+$0x1900] =	vst v0  }
0x22: {  	[tilespmem:s10+$0x1910] =	vst v0  }
.Ltmp2:
0x23: {  	[tilespmem:s10+$0x1920] =	vst v0;
	(pc) =	sbr.rel @p1 .LBB2_4-.Ltmp2, $4  }
0x24: {  	[tilespmem:s10+$0x1930] =	vst v0  }
0x25: {  	[tilespmem:s10+$0x1940] =	vst v0  }
0x26: {  	[tilespmem:s10+$0x1950] =	vst v0  }
0x27: {  	[tilespmem:s10+$0x1960] =	vst v0;
	s10 =	sshra.s32 s14, $0x2;
	s14 =	sadd.s32 $0x200, s14  }
0x28: {  	[tilespmem:s10+$0x1970] =	vst v0  }
0x29: {  	[tilespmem:s10+$0x1900] =	vst v0  }
0x2a: {  	[tilespmem:s10+$0x1910] =	vst v0  }
0x2b: {  	[tilespmem:s10+$0x1920] =	vst v0  }
0x2c: {  	[tilespmem:s10+$0x1930] =	vst v0  }
0x2d: {  	[tilespmem:s10+$0x1940] =	vst v0  }
0x2e: {  	[tilespmem:s10+$0x1950] =	vst v0  }
0x2f: {  	[tilespmem:s10+$0x1960] =	vst v0  }
0x30: {  	[spmem:s6] =	stream.linear.scatter [tilespmem:s20], [sflag:$0x3], $0x4000, $0x38;
	[tilespmem:$0x1D900] =	vst v63  }
0x31: {  	_ =	swait.ge [sflag:s16], $0x4000  }
0x32: {  	[sflag:s16] =	ssyncset.done $0x0  }
0x33: {  	s14 =	rddreg [dreg:$0x4];
	[sflag:s16] =	ssyncadd.s32 $0xFFFFC000  }
0x34: {  	[spmem:s14] =	stream.linear.scatter [tilespmem:s20], [sflag:$0x3], $0x4000, $0x38;
	[tilespmem:$0x1D900] =	vst v63  }
0x35: {  	_ =	swait.ge [sflag:s16], $0x4000  }
0x36: {  	[sflag:s16] =	ssyncset.done $0x0  }
0x37: {  	s15 =	rddreg [dreg:$0x5];
	[sflag:s16] =	ssyncadd.s32 $0xFFFFC000  }
0x38: {  	[spmem:s15] =	stream.linear.scatter [tilespmem:s20], [sflag:$0x3], $0x4000, $0x38;
	[tilespmem:$0x1D900] =	vst v63  }
0x39: {  	_ =	swait.ge [sflag:s16], $0x4000  }
0x3a: {  	[sflag:s16] =	ssyncset.done $0x0  }
0x3b: {  	[sflag:s16] =	ssyncadd.s32 $0xFFFFC000  }
0x3c: {  	[spmem:s12] =	stream.linear.scatter [tilespmem:s20], [sflag:$0x3], $0x4000, $0x38;
	[tilespmem:$0x1D900] =	vst v63  }
0x3d: {  	_ =	swait.ge [sflag:s16], $0x4000  }
0x3e: {  	[sflag:s16] =	ssyncset.done $0x0  }
0x3f: {  	[sflag:s16] =	ssyncadd.s32 $0xFFFFC000  }
0x40: {  	[spmem:s13] =	stream.linear.scatter [tilespmem:s20], [sflag:$0x3], $0x4000, $0x38;
	[tilespmem:$0x1D900] =	vst v63  }
0x41: {  	_ =	swait.ge [sflag:s16], $0x4000  }
0x42: {  	[sflag:s16] =	ssyncset.done $0x0  }
0x43: {  	[sflag:s16] =	ssyncadd.s32 $0xFFFFC000  }
.LBB2_6:
0x44: {  	[bflag:$0x0] =	sbarrier.arrive $0xFFFF  }
0x45: {  	[tilespmem:s3], [sflag:$0x3] =	stream.linear.gather [hbm4b:s7+s3], $0x500, $0x38;
	[tilespmem:$0x1D900] =	vst v63  }
0x46: {  	_ =	swait.ge [sflag:s16], $0x500  }
0x47: {  	[sflag:s16] =	ssyncset.done $0x0  }
0x48: {  	[sflag:s16] =	ssyncadd.s32 $0xFFFFFB00  }
0x49: {  	[tilespmem:s20], [sflag:$0x1] =	stream.indirect.gather [hbm4b:s4+s19], $0x80, s3, s19, $0xb8;
	[tilespmem:$0x1D900] =	vst v63  }
0x4a: {  	_ = 	snop  }
0x4b: {  	[tilespmem:s21], [sflag:$0x2] =	stream.indirect.gather [hbm4b:s4+s19], $0x80, s19, s19, $0xb8;
	[tilespmem:$0x1D900] =	vst v63  }
0x4c: {  	_ =	swait.ge [sflag:s22], $0x4000  }
0x4d: {  	[sflag:s22] =	ssyncset.done $0x0  }
0x4e: {  	s10 =	simm.s32 $0x500;
	[sflag:s22] =	ssyncadd.s32 $0xFFFFC000  }
0x4f: {  	[spmem:s2] =	stream.indirect.scatter.add.f32 [tilespmem:s20], [sflag:$0x3], $0x80, s10, s19, $0xb8;
	[tilespmem:$0x1D900] =	vst v63  }
0x50: {  	_ =	swait.ge [sflag:s16], $0x4000  }
0x51: {  	[sflag:s16] =	ssyncset.done $0x0  }
0x52: {  	[sflag:s16] =	ssyncadd.s32 $0xFFFFC000  }
0x53: {  	[tilespmem:s20], [sflag:$0x1] =	stream.indirect.gather [hbm4b:s4+s19], $0x80, s23, s19, $0xb8;
	[tilespmem:$0x1D900] =	vst v63  }
0x54: {  	_ =	swait.ge [sflag:s24], $0x4000  }
0x55: {  	[sflag:s24] =	ssyncset.done $0x0  }
0x56: {  	s11 =	simm.s32 $0x580;
	[sflag:s24] =	ssyncadd.s32 $0xFFFFC000  }
0x57: {  	[spmem:s2] =	stream.indirect.scatter.add.f32 [tilespmem:s21], [sflag:$0x3], $0x80, s11, s19, $0xb8;
	[tilespmem:$0x1D900] =	vst v63  }
0x58: {  	_ =	swait.ge [sflag:s16], $0x4000  }
0x59: {  	[sflag:s16] =	ssyncset.done $0x0  }
0x5a: {  	[sflag:s16] =	ssyncadd.s32 $0xFFFFC000  }
0x5b: {  	[tilespmem:s21], [sflag:$0x2] =	stream.indirect.gather [hbm4b:s4+s19], $0x80, s25, s19, $0xb8;
	[tilespmem:$0x1D900] =	vst v63  }
0x5c: {  	_ =	swait.ge [sflag:s22], $0x4000  }
0x5d: {  	[sflag:s22] =	ssyncset.done $0x0  }
0x5e: {  	s14 =	simm.s32 $0x600;
	[sflag:s22] =	ssyncadd.s32 $0xFFFFC000  }
0x5f: {  	[spmem:s2] =	stream.indirect.scatter.add.f32 [tilespmem:s20], [sflag:$0x3], $0x80, s14, s19, $0xb8;
	[tilespmem:$0x1D900] =	vst v63  }
0x60: {  	_ =	swait.ge [sflag:s16], $0x4000  }
0x61: {  	[sflag:s16] =	ssyncset.done $0x0  }
0x62: {  	[sflag:s16] =	ssyncadd.s32 $0xFFFFC000  }
0x63: {  	[tilespmem:s20], [sflag:$0x1] =	stream.indirect.gather [hbm4b:s4+s19], $0x80, s26, s19, $0xb8;
	[tilespmem:$0x1D900] =	vst v63  }
0x64: {  	_ =	swait.ge [sflag:s24], $0x4000  }
0x65: {  	[sflag:s24] =	ssyncset.done $0x0  }
0x66: {  	s15 =	simm.s32 $0x680;
	[sflag:s24] =	ssyncadd.s32 $0xFFFFC000  }
0x67: {  	[spmem:s2] =	stream.indirect.scatter.add.f32 [tilespmem:s21], [sflag:$0x3], $0x80, s15, s19, $0xb8;
	[tilespmem:$0x1D900] =	vst v63  }
0x68: {  	_ =	swait.ge [sflag:s16], $0x4000  }
0x69: {  	[sflag:s16] =	ssyncset.done $0x0  }
0x6a: {  	[sflag:s16] =	ssyncadd.s32 $0xFFFFC000  }
0x6b: {  	[tilespmem:s21], [sflag:$0x2] =	stream.indirect.gather [hbm4b:s4+s19], $0x80, s28, s19, $0xb8;
	[tilespmem:$0x1D900] =	vst v63  }
0x6c: {  	_ =	swait.ge [sflag:s22], $0x4000  }
0x6d: {  	[sflag:s22] =	ssyncset.done $0x0  }
0x6e: {  	s11 =	simm.s32 $0x700;
	[sflag:s22] =	ssyncadd.s32 $0xFFFFC000  }
0x6f: {  	[spmem:s2] =	stream.indirect.scatter.add.f32 [tilespmem:s20], [sflag:$0x3], $0x80, s11, s19, $0xb8;
	[tilespmem:$0x1D900] =	vst v63  }
0x70: {  	_ =	swait.ge [sflag:s16], $0x4000  }
0x71: {  	[sflag:s16] =	ssyncset.done $0x0  }
0x72: {  	[sflag:s16] =	ssyncadd.s32 $0xFFFFC000  }
0x73: {  	[tilespmem:s20], [sflag:$0x1] =	stream.indirect.gather [hbm4b:s4+s19], $0x80, s29, s19, $0xb8;
	[tilespmem:$0x1D900] =	vst v63  }
0x74: {  	_ =	swait.ge [sflag:s24], $0x4000  }
0x75: {  	[sflag:s24] =	ssyncset.done $0x0  }
0x76: {  	s14 =	simm.s32 $0x780;
	[sflag:s24] =	ssyncadd.s32 $0xFFFFC000  }
0x77: {  	[spmem:s2] =	stream.indirect.scatter.add.f32 [tilespmem:s21], [sflag:$0x3], $0x80, s14, s19, $0xb8;
	[tilespmem:$0x1D900] =	vst v63  }
0x78: {  	_ =	swait.ge [sflag:s16], $0x4000  }
0x79: {  	[sflag:s16] =	ssyncset.done $0x0  }
0x7a: {  	[sflag:s16] =	ssyncadd.s32 $0xFFFFC000  }
0x7b: {  	[tilespmem:s21], [sflag:$0x2] =	stream.indirect.gather [hbm4b:s4+s19], $0x80, s30, s19, $0xb8;
	[tilespmem:$0x1D900] =	vst v63  }
0x7c: {  	_ =	swait.ge [sflag:s22], $0x4000  }
0x7d: {  	[sflag:s22] =	ssyncset.done $0x0  }
0x7e: {  	s15 =	simm.s32 $0x800;
	[sflag:s22] =	ssyncadd.s32 $0xFFFFC000  }
0x7f: {  	[spmem:s2] =	stream.indirect.scatter.add.f32 [tilespmem:s20], [sflag:$0x3], $0x80, s15, s19, $0xb8;
	[tilespmem:$0x1D900] =	vst v63  }
0x80: {  	_ =	swait.ge [sflag:s16], $0x4000  }
0x81: {  	[sflag:s16] =	ssyncset.done $0x0  }
0x82: {  	[sflag:s16] =	ssyncadd.s32 $0xFFFFC000  }
0x83: {  	[tilespmem:s20], [sflag:$0x1] =	stream.indirect.gather [hbm4b:s4+s19], $0x80, s31, s19, $0xb8;
	[tilespmem:$0x1D900] =	vst v63  }
0x84: {  	_ =	swait.ge [sflag:s24], $0x4000  }
0x85: {  	[sflag:s24] =	ssyncset.done $0x0  }
0x86: {  	s11 =	simm.s32 $0x880;
	[sflag:s24] =	ssyncadd.s32 $0xFFFFC000  }
0x87: {  	[spmem:s2] =	stream.indirect.scatter.add.f32 [tilespmem:s21], [sflag:$0x3], $0x80, s11, s19, $0xb8;
	[tilespmem:$0x1D900] =	vst v63  }
0x88: {  	_ =	swait.ge [sflag:s16], $0x4000  }
0x89: {  	[sflag:s16] =	ssyncset.done $0x0  }
0x8a: {  	[sflag:s16] =	ssyncadd.s32 $0xFFFFC000  }
0x8b: {  	[tilespmem:s21], [sflag:$0x2] =	stream.indirect.gather [hbm4b:s4+s19], $0x80, s1, s19, $0xb8;
	[tilespmem:$0x1D900] =	vst v63  }
0x8c: {  	_ =	swait.ge [sflag:s22], $0x4000  }
0x8d: {  	[sflag:s22] =	ssyncset.done $0x0  }
0x8e: {  	s14 =	simm.s32 $0x900;
	[sflag:s22] =	ssyncadd.s32 $0xFFFFC000  }
0x8f: {  	[spmem:s2] =	stream.indirect.scatter.add.f32 [tilespmem:s20], [sflag:$0x3], $0x80, s14, s19, $0xb8;
	[tilespmem:$0x1D900] =	vst v63  }
0x90: {  	_ =	swait.ge [sflag:s16], $0x4000  }
0x91: {  	[sflag:s16] =	ssyncset.done $0x0  }
0x92: {  	[sflag:s16] =	ssyncadd.s32 $0xFFFFC000  }
0x93: {  	_ =	swait.ge [sflag:s24], $0x4000  }
0x94: {  	[sflag:s24] =	ssyncset.done $0x0  }
0x95: {  	s15 =	simm.s32 $0x980;
	[sflag:s24] =	ssyncadd.s32 $0xFFFFC000  }
0x96: {  	[spmem:s2] =	stream.indirect.scatter.add.f32 [tilespmem:s21], [sflag:$0x3], $0x80, s15, s19, $0xb8;
	[tilespmem:$0x1D900] =	vst v63  }
0x97: {  	_ =	swait.ge [sflag:s16], $0x4000  }
0x98: {  	s14 =	smov.u32 s7;
	s15 =	simm.s32 $0x1400;
	[sflag:s16] =	ssyncset.done $0x0  }
.LBB2_7:
0x99: {  	p1 =	sne.s32 s15, $0x3C00;
	[sflag:s16] =	ssyncadd.s32 $0xFFFFC000;
	s14 =	sadd.s32 $0xA0, s14  }
0x9a: {  	[tilespmem:s3], [sflag:$0x3] =	stream.linear.gather [hbm4b:s14+s3], $0x500, $0x38;
	[tilespmem:$0x1D900] =	vst v63  }
0x9b: {  	s10 =	smov.u32 s15;
	s15 =	sadd.s32 $0x1400, s15;
	_ =	swait.ge [sflag:s16], $0x500  }
0x9c: {  	[sflag:s16] =	ssyncset.done $0x0  }
0x9d: {  	[sflag:s16] =	ssyncadd.s32 $0xFFFFFB00  }
0x9e: {  	[tilespmem:s20], [sflag:$0x1] =	stream.indirect.gather [hbm4b:s4+s19], $0x80, s3, s19, $0xb8;
	[tilespmem:$0x1D900] =	vst v63  }
0x9f: {  	_ = 	snop  }
0xa0: {  	[tilespmem:s21], [sflag:$0x2] =	stream.indirect.gather [hbm4b:s4+s19], $0x80, s19, s19, $0xb8;
	[tilespmem:$0x1D900] =	vst v63  }
0xa1: {  	_ =	swait.ge [sflag:s22], $0x4000  }
0xa2: {  	s10 =	sshra.s32 s10, $0x2;
	[sflag:s22] =	ssyncset.done $0x0  }
0xa3: {  	s11 =	sadd.s32 $0x500, s10;
	[sflag:s22] =	ssyncadd.s32 $0xFFFFC000  }
0xa4: {  	[spmem:s2] =	stream.indirect.scatter.add.f32 [tilespmem:s20], [sflag:$0x3], $0x80, s11, s19, $0xb8;
	[tilespmem:$0x1D900] =	vst v63  }
0xa5: {  	_ =	swait.ge [sflag:s16], $0x4000  }
0xa6: {  	[sflag:s16] =	ssyncset.done $0x0  }
0xa7: {  	[sflag:s16] =	ssyncadd.s32 $0xFFFFC000  }
0xa8: {  	[tilespmem:s20], [sflag:$0x1] =	stream.indirect.gather [hbm4b:s4+s19], $0x80, s23, s19, $0xb8;
	[tilespmem:$0x1D900] =	vst v63  }
0xa9: {  	_ =	swait.ge [sflag:s24], $0x4000  }
0xaa: {  	[sflag:s24] =	ssyncset.done $0x0  }
0xab: {  	s11 =	sadd.s32 $0x580, s10;
	[sflag:s24] =	ssyncadd.s32 $0xFFFFC000  }
0xac: {  	[spmem:s2] =	stream.indirect.scatter.add.f32 [tilespmem:s21], [sflag:$0x3], $0x80, s11, s19, $0xb8;
	[tilespmem:$0x1D900] =	vst v63  }
0xad: {  	_ =	swait.ge [sflag:s16], $0x4000  }
0xae: {  	[sflag:s16] =	ssyncset.done $0x0  }
0xaf: {  	[sflag:s16] =	ssyncadd.s32 $0xFFFFC000  }
0xb0: {  	[tilespmem:s21], [sflag:$0x2] =	stream.indirect.gather [hbm4b:s4+s19], $0x80, s25, s19, $0xb8;
	[tilespmem:$0x1D900] =	vst v63  }
0xb1: {  	_ =	swait.ge [sflag:s22], $0x4000  }
0xb2: {  	[sflag:s22] =	ssyncset.done $0x0  }
0xb3: {  	s11 =	sadd.s32 $0x600, s10;
	[sflag:s22] =	ssyncadd.s32 $0xFFFFC000  }
0xb4: {  	[spmem:s2] =	stream.indirect.scatter.add.f32 [tilespmem:s20], [sflag:$0x3], $0x80, s11, s19, $0xb8;
	[tilespmem:$0x1D900] =	vst v63  }
0xb5: {  	_ =	swait.ge [sflag:s16], $0x4000  }
0xb6: {  	[sflag:s16] =	ssyncset.done $0x0  }
0xb7: {  	[sflag:s16] =	ssyncadd.s32 $0xFFFFC000  }
0xb8: {  	[tilespmem:s20], [sflag:$0x1] =	stream.indirect.gather [hbm4b:s4+s19], $0x80, s26, s19, $0xb8;
	[tilespmem:$0x1D900] =	vst v63  }
0xb9: {  	_ =	swait.ge [sflag:s24], $0x4000  }
0xba: {  	[sflag:s24] =	ssyncset.done $0x0  }
0xbb: {  	s11 =	sadd.s32 $0x680, s10;
	[sflag:s24] =	ssyncadd.s32 $0xFFFFC000  }
0xbc: {  	[spmem:s2] =	stream.indirect.scatter.add.f32 [tilespmem:s21], [sflag:$0x3], $0x80, s11, s19, $0xb8;
	[tilespmem:$0x1D900] =	vst v63  }
0xbd: {  	_ =	swait.ge [sflag:s16], $0x4000  }
0xbe: {  	[sflag:s16] =	ssyncset.done $0x0  }
0xbf: {  	[sflag:s16] =	ssyncadd.s32 $0xFFFFC000  }
0xc0: {  	[tilespmem:s21], [sflag:$0x2] =	stream.indirect.gather [hbm4b:s4+s19], $0x80, s28, s19, $0xb8;
	[tilespmem:$0x1D900] =	vst v63  }
0xc1: {  	_ =	swait.ge [sflag:s22], $0x4000  }
0xc2: {  	[sflag:s22] =	ssyncset.done $0x0  }
0xc3: {  	s11 =	sadd.s32 $0x700, s10;
	[sflag:s22] =	ssyncadd.s32 $0xFFFFC000  }
0xc4: {  	[spmem:s2] =	stream.indirect.scatter.add.f32 [tilespmem:s20], [sflag:$0x3], $0x80, s11, s19, $0xb8;
	[tilespmem:$0x1D900] =	vst v63  }
0xc5: {  	_ =	swait.ge [sflag:s16], $0x4000  }
0xc6: {  	[sflag:s16] =	ssyncset.done $0x0  }
0xc7: {  	[sflag:s16] =	ssyncadd.s32 $0xFFFFC000  }
0xc8: {  	[tilespmem:s20], [sflag:$0x1] =	stream.indirect.gather [hbm4b:s4+s19], $0x80, s29, s19, $0xb8;
	[tilespmem:$0x1D900] =	vst v63  }
0xc9: {  	_ =	swait.ge [sflag:s24], $0x4000  }
0xca: {  	[sflag:s24] =	ssyncset.done $0x0  }
0xcb: {  	s11 =	sadd.s32 $0x780, s10;
	[sflag:s24] =	ssyncadd.s32 $0xFFFFC000  }
0xcc: {  	[spmem:s2] =	stream.indirect.scatter.add.f32 [tilespmem:s21], [sflag:$0x3], $0x80, s11, s19, $0xb8;
	[tilespmem:$0x1D900] =	vst v63  }
0xcd: {  	_ =	swait.ge [sflag:s16], $0x4000  }
0xce: {  	[sflag:s16] =	ssyncset.done $0x0  }
0xcf: {  	[sflag:s16] =	ssyncadd.s32 $0xFFFFC000  }
0xd0: {  	[tilespmem:s21], [sflag:$0x2] =	stream.indirect.gather [hbm4b:s4+s19], $0x80, s30, s19, $0xb8;
	[tilespmem:$0x1D900] =	vst v63  }
0xd1: {  	_ =	swait.ge [sflag:s22], $0x4000  }
0xd2: {  	[sflag:s22] =	ssyncset.done $0x0  }
0xd3: {  	s11 =	sadd.s32 $0x800, s10;
	[sflag:s22] =	ssyncadd.s32 $0xFFFFC000  }
0xd4: {  	[spmem:s2] =	stream.indirect.scatter.add.f32 [tilespmem:s20], [sflag:$0x3], $0x80, s11, s19, $0xb8;
	[tilespmem:$0x1D900] =	vst v63  }
0xd5: {  	_ =	swait.ge [sflag:s16], $0x4000  }
0xd6: {  	[sflag:s16] =	ssyncset.done $0x0  }
0xd7: {  	[sflag:s16] =	ssyncadd.s32 $0xFFFFC000  }
0xd8: {  	[tilespmem:s20], [sflag:$0x1] =	stream.indirect.gather [hbm4b:s4+s19], $0x80, s31, s19, $0xb8;
	[tilespmem:$0x1D900] =	vst v63  }
0xd9: {  	_ =	swait.ge [sflag:s24], $0x4000  }
0xda: {  	[sflag:s24] =	ssyncset.done $0x0  }
0xdb: {  	s11 =	sadd.s32 $0x880, s10;
	[sflag:s24] =	ssyncadd.s32 $0xFFFFC000  }
0xdc: {  	[spmem:s2] =	stream.indirect.scatter.add.f32 [tilespmem:s21], [sflag:$0x3], $0x80, s11, s19, $0xb8;
	[tilespmem:$0x1D900] =	vst v63  }
0xdd: {  	_ =	swait.ge [sflag:s16], $0x4000  }
0xde: {  	[sflag:s16] =	ssyncset.done $0x0  }
0xdf: {  	[sflag:s16] =	ssyncadd.s32 $0xFFFFC000  }
0xe0: {  	[tilespmem:s21], [sflag:$0x2] =	stream.indirect.gather [hbm4b:s4+s19], $0x80, s1, s19, $0xb8;
	[tilespmem:$0x1D900] =	vst v63  }
0xe1: {  	_ =	swait.ge [sflag:s22], $0x4000  }
0xe2: {  	[sflag:s22] =	ssyncset.done $0x0  }
0xe3: {  	s11 =	sadd.s32 $0x900, s10;
	[sflag:s22] =	ssyncadd.s32 $0xFFFFC000  }
0xe4: {  	[spmem:s2] =	stream.indirect.scatter.add.f32 [tilespmem:s20], [sflag:$0x3], $0x80, s11, s19, $0xb8;
	[tilespmem:$0x1D900] =	vst v63  }
0xe5: {  	_ =	swait.ge [sflag:s16], $0x4000  }
0xe6: {  	[sflag:s16] =	ssyncset.done $0x0  }
0xe7: {  	[sflag:s16] =	ssyncadd.s32 $0xFFFFC000  }
0xe8: {  	_ =	swait.ge [sflag:s24], $0x4000  }
.Ltmp3:
0xe9: {  	[sflag:s24] =	ssyncset.done $0x0;
	(pc) =	sbr.rel @p1 .LBB2_7-.Ltmp3, $4  }
0xea: {  	s10 =	sadd.s32 $0x980, s10;
	[sflag:s24] =	ssyncadd.s32 $0xFFFFC000  }
0xeb: {  	[spmem:s2] =	stream.indirect.scatter.add.f32 [tilespmem:s21], [sflag:$0x3], $0x80, s10, s19, $0xb8;
	[tilespmem:$0x1D900] =	vst v63  }
0xec: {  	_ =	swait.ge [sflag:s16], $0x4000  }
0xed: {  	[sflag:s16] =	ssyncset.done $0x0  }
0xee: {  	s0 =	sadd.s32 $0x1, s0  }
0xef: {  	[sflag:s16] =	ssyncadd.s32 $0xFFFFC000;
	p1 =	sne.s32 s0, s9  }
.Ltmp4:
0xf0: {  	[bflag:$0x0] =	sbarrier.arrive $0xFFFF;
	(pc) =	sbr.rel @p1 .LBB2_1-.Ltmp4, $4  }
0xf1: {  	[hbm:s8], [sflag:s17] =	dma.local [spmem:s18], $0x2800  }
0xf2: {  	_ =	swait.ge [sflag:s16], $0x2800  }
0xf3: {  	[sflag:s16] =	ssyncset.done $0x0  }
0xf4: {  	[sflag:s16] =	ssyncadd.s32 $0xFFFFD800  }
0xf5: {  	_ =	sfence.sel $0x180000  }
0xf6: {  	[bflag:$0x0] =	sbarrier.arrive $0xFFFF  }
0xf7: {  	_ =	strace $0x9000004D  }
0xf8: {  	s0 =	stileid.u32;
	[bflag:$0x2] =	sbarrier.arrive $0xFFFF  }
0xf9: {  	p0 =	sne.s32 s0, $0x0;
	s0 =	rddreg [dreg:$0x2]  }
0xfa: {  	s0 =	sadd.s32 @!p0 $0x100000, s0  }
0xfb: {  	[sflag:s0] =	ssyncadd.tile.s32 @!p0 $0x1;
	_ =	shalt  }
.Lfunc_end2:
_tile_overlayer_lowered:
.L_overlay_start_2:
0xfc: {  	(tag) =	ssettag $0x2  }
0xfd: {  	s0 =	rddreg [dreg:$0x0];
	s2 =	stileid.u32  }
0xfe: {  	s1 =	rddreg [dreg:$0x1];
	p0 =	sne.s32 s2, $0x0  }
0xff: {  	s3 =	rddreg [dreg:$0x2];
	[bflag:$0x3] =	sbarrier.arrive $0xFFFF;
	s2 =	simm.s32 @!p0 $0x1C03  }
0x100: {  	[timem:s3], [sflag:s2] =	dma.local @!p0 [hbm:s0], s1  }
0x101: {  	s0 =	simm.s32 @!p0 $0x3  }
0x102: {  	_ =	swait.ge @!p0 [sflag:s0], s1  }
0x103: {  	s1 =	ssub.s32 @!p0 $0x0, s1;
	[sflag:s0] =	ssyncset.done @!p0 $0x0  }
0x104: {  	[sflag:s0] =	ssyncadd.s32 @!p0 s1  }
0x105: {  	[bflag:$0x3] =	sbarrier.arrive $0xFFFF  }
0x106: {  	_ =	shalt  }

// kernel: kernel.8.cloned.1.call-start
scs
__scs_entry_jumppad:
0x0: {  	(pc) =	sbr.rel $0x88, $3  }
0x1: {  	(tag) =	ssettag $0x0;
	lr =	simm.s32 $0x1  }
0x2: {  	[smem:$0x3F9B] =	sst lr;
	_ =	strace $0xD0000000  }
0x3: {  	_ = 	snop  }
0x4: {  	_ = 	snop  }
0x5: {  	_ = 	snop  }
0x6: {  	_ = 	snop  }
0x7: {  	_ = 	snop  }
__scs_overlays_trampoline_lowered:
0x8: {  	[smem:$0x3FAA] =	sst s0  }
0x9: {  	[smem:$0x3FAB] =	sst s1  }
0xa: {  	[smem:$0x3FAC] =	sst s2  }
0xb: {  	[smem:$0x3FAD] =	sst s3  }
0xc: {  	[smem:$0x3FAE] =	sst s4  }
0xd: {  	[smem:$0x3FAF] =	sst s5  }
0xe: {  	[smem:$0x3FB0] =	sst s6  }
0xf: {  	[smem:$0x3FB1] =	sst s7  }
0x10: {  	[smem:$0x3FB2] =	sst s8  }
0x11: {  	[smem:$0x3FB3] =	sst s9;
	s0 =	simm.s32 @!p0 $0x0  }
0x12: {  	s1 =	sld [smem:$0x3F99];
	s0 =	simm.s32 @p0 $0x1  }
0x13: {  	[smem:$0x3FB4] =	sst s0;
	s0 =	simm.s32 @!p1 $0x0  }
0x14: {  	s2 =	sld [smem:$0x3F98];
	s0 =	simm.s32 @p1 $0x1  }
0x15: {  	[smem:$0x3FB5] =	sst s0;
	s0 =	simm.s32 @!p2 $0x0  }
0x16: {  	s3 =	sld [smem:$0x3FDB];
	s0 =	simm.s32 @p2 $0x1  }
0x17: {  	s4 =	simm.s32 $0x1BF5;
	[smem:$0x3FB7] =	sst s0  }
0x18: {  	s0 =	sld [smem:$0x3F9A];
	_ =	swait.ge [sflag:s4], $0x0  }
0x19: {  	s7 =	sld [smem:$0x3F9B]  }
0x1a: {  	s8 =	sadd.s32 $0xFFFFE003, lr  }
0x1b: {  	s9 =	sadd.s32 $0xFFFFFEF7, lr;
	s5 =	simm.s32 $0xFFFFFFFF;
	p2 =	slt.u32 s8, $0xFFFFF086  }
0x1c: {  	p1 =	slt.u32 s9, $0xF7A;
	s5 =	simm.s32 @!p2 $0x0  }
0x1d: {  	s5 =	simm.s32 @p1 $0x1;
	p0 =	seq.s32 s7, s2  }
0x1e: {  	s7 =	smul.u32 @!p0 $0xF7A, s2;
	p2 =	seq.s32 @!p0 s5, $0x0  }
0x1f: {  	s9 =	smul.u32 $0xF7A, s1;
	s8 =	simm.s32 @!p0 $0x1BF5;
	p2 =	por !p2, p0  }
0x20: {  	[sflag:s8] =	ssyncset.s32 @!p0 $0xFFFFF086;
	s6 =	sadd.s32 @!p0 s3, s7;
	s7 =	simm.s32 @!p0 $0x108  }
0x21: {  	s3 =	sadd.s32 s3, s9;
	s6 =	sadd.s32 @!p0 $0x88, s6;
	s7 =	simm.s32 @p2 $0x1082  }
0x22: {  	[simem:s7], [sflag:s8] =	dma.local @!p0 [hbm:s6], $0xF7A  }
0x23: {  	s9 =	sor.u32 $0xD0000000, s2;
	s6 =	simm.s32 $0x108;
	_ =	swait.ge @!p0 [sflag:s8], $0x0  }
0x24: {  	s3 =	sadd.s32 $0x88, s3;
	s6 =	simm.s32 @!p1 $0x1082;
	[sflag:s4] =	ssyncset.s32 $0xFFFFF086  }
0x25: {  	[simem:s6], [sflag:s4] =	dma.local [hbm:s3], $0xF7A  }
0x26: {  	[smem:$0x3F9B] =	sst s1;
	(tag) =	ssettag s2;
	_ =	strace s9  }
0x27: {  	s1 =	sld [smem:$0x3FAB]  }
0x28: {  	s2 =	sld [smem:$0x3FAC]  }
0x29: {  	s4 =	sld [smem:$0x3FAE]  }
0x2a: {  	p0 =	seq.s32 s5, $0x0;
	s5 =	sld [smem:$0x3FAF]  }
0x2b: {  	s6 =	sld [smem:$0x3FB0]  }
0x2c: {  	s7 =	sld [smem:$0x3FB1]  }
0x2d: {  	s3 =	simm.s32 $0x108;
	s8 =	sld [smem:$0x3FB2]  }
0x2e: {  	s3 =	simm.s32 @!p0 $0x1082;
	s9 =	sld [smem:$0x3FB3]  }
0x2f: {  	lr =	sadd.s32 s0, s3;
	s0 =	sld [smem:$0x3FAA]  }
0x30: {  	s3 =	sld [smem:$0x3FAD]  }
0x31: {  	[smem:$0x3FB6] =	sst s10  }
0x32: {  	s10 =	sld [smem:$0x3FB4];
	_ =	sdelay $0x3  }
0x33: {  	p0 =	seq.s32 s10, $0x1;
	s10 =	sld [smem:$0x3FB6];
	_ =	sdelay $0x3  }
0x34: {  	[smem:$0x3FB6] =	sst s10  }
0x35: {  	s10 =	sld [smem:$0x3FB5];
	_ =	sdelay $0x3  }
0x36: {  	p1 =	seq.s32 s10, $0x1;
	s10 =	sld [smem:$0x3FB6];
	_ =	sdelay $0x3  }
0x37: {  	[smem:$0x3FB6] =	sst s10  }
0x38: {  	s10 =	sld [smem:$0x3FB7]  }
0x39: {  	_ = 	snop;
	(pc) =	sbr.ind lr, $3  }
0x3a: {  	_ = 	snop  }
0x3b: {  	_ = 	snop  }
0x3c: {  	p2 =	seq.s32 s10, $0x1;
	s10 =	sld [smem:$0x3FB6]  }
0x3d: {  	_ =	shalt  }
0x3e: {  	_ =	shalt  }
0x3f: {  	_ =	shalt  }
0x40: {  	_ =	shalt  }
0x41: {  	_ =	shalt  }
0x42: {  	_ =	shalt  }
0x43: {  	_ =	shalt  }
0x44: {  	_ =	shalt  }
0x45: {  	_ =	shalt  }
0x46: {  	_ =	shalt  }
0x47: {  	_ =	shalt  }
0x48: {  	_ =	shalt  }
0x49: {  	_ =	shalt  }
0x4a: {  	_ =	shalt  }
0x4b: {  	_ =	shalt  }
0x4c: {  	_ =	shalt  }
0x4d: {  	_ =	shalt  }
0x4e: {  	_ =	shalt  }
0x4f: {  	_ =	shalt  }
0x50: {  	_ =	shalt  }
0x51: {  	_ =	shalt  }
0x52: {  	_ =	shalt  }
0x53: {  	_ =	shalt  }
0x54: {  	_ =	shalt  }
0x55: {  	_ =	shalt  }
0x56: {  	_ =	shalt  }
0x57: {  	_ =	shalt  }
0x58: {  	_ =	shalt  }
0x59: {  	_ =	shalt  }
0x5a: {  	_ =	shalt  }
0x5b: {  	_ =	shalt  }
0x5c: {  	_ =	shalt  }
0x5d: {  	_ =	shalt  }
0x5e: {  	_ =	shalt  }
0x5f: {  	_ =	shalt  }
0x60: {  	_ =	shalt  }
0x61: {  	_ =	shalt  }
0x62: {  	_ =	shalt  }
0x63: {  	_ =	shalt  }
0x64: {  	_ =	shalt  }
0x65: {  	_ =	shalt  }
0x66: {  	_ =	shalt  }
0x67: {  	_ =	shalt  }
0x68: {  	_ =	shalt  }
0x69: {  	_ =	shalt  }
0x6a: {  	_ =	shalt  }
0x6b: {  	_ =	shalt  }
0x6c: {  	_ =	shalt  }
0x6d: {  	_ =	shalt  }
0x6e: {  	_ =	shalt  }
0x6f: {  	_ =	shalt  }
0x70: {  	_ =	shalt  }
0x71: {  	_ =	shalt  }
0x72: {  	_ =	shalt  }
0x73: {  	_ =	shalt  }
0x74: {  	_ =	shalt  }
0x75: {  	_ =	shalt  }
0x76: {  	_ =	shalt  }
0x77: {  	_ =	shalt  }
0x78: {  	_ =	shalt  }
0x79: {  	_ =	shalt  }
0x7a: {  	_ =	shalt  }
0x7b: {  	_ =	shalt  }
0x7c: {  	_ =	shalt  }
0x7d: {  	_ =	shalt  }
0x7e: {  	_ =	shalt  }
0x7f: {  	_ =	shalt  }
0x80: {  	_ =	shalt  }
0x81: {  	_ =	shalt  }
0x82: {  	_ =	shalt  }
0x83: {  	_ =	shalt  }
0x84: {  	_ =	shalt  }
0x85: {  	_ =	shalt  }
0x86: {  	_ =	shalt  }
0x87: {  	_ =	shalt  }
.Lfunc_end0:
.L_simem_size_0:
called_computation_lowered:
.L_overlay_start_0:
0x88: {  	s2 =	sld [smem:$0x3FD9]  }
0x89: {  	s3 =	sld [smem:$0x3FFE];
	_ =	sdelay $0x1  }
0x8a: {  	s1 =	srdreg.scid  }
0x8b: {  	s0 =	sand.u32 $0x1, s1  }
0x8c: {  	s17 =	sshll.u32 s0, $0xA;
	s2 =	sadd.s32 s3, s2  }
0x8d: {  	s2 =	sadd.s32 s2, s17  }
0x8e: {  	[smem:$0x3FC2] =	sst s2  }
0x8f: {  	_ = 	snop  }
0x90: {  	s2 =	sld [smem:$0x3FD0];
	(tm) =	ssettm $0x1  }
0x91: {  	s18 =	sld [smem:$0x3FFB];
	_ =	sdelay $0x3  }
0x92: {  	_ =	strace s18  }
0x93: {  	s3 =	sld [smem:$0x3FFC];
	_ =	sdelay $0x3  }
0x94: {  	_ =	strace s3  }
0x95: {  	s3 =	sld [smem:$0x3FFD];
	_ =	sdelay $0x3  }
0x96: {  	_ =	strace s3  }
0x97: {  	_ =	strace $0x8FFFFFFF  }
0x98: {  	s19 =	sld [smem:$0x3FDB];
	_ =	sdelay $0x1  }
0x99: {  	s4 =	simm.s32 $_scs_section_size  }
0x9a: {  	s5 =	simm.s32 $_size__tile_overlayer_lowered;
	s6 =	simm.s32 $_tile_overlayer_lowered  }
0x9b: {  	s22 =	simm.s32 $0x1BFF;
	s21 =	sshll.u32 s6, $0x1;
	s3 =	sadd.s32 s4, s19  }
0x9c: {  	s7 =	simm.s32 $0x0;
	s20 =	sshll.u32 s5, $0x1;
	s5 =	sadd.s32 s21, s3  }
0x9d: {  	[timem:s7], [sflag:s22] =	dma.local [hbm:s5], s20  }
0x9e: {  	_ =	swait.ge [sflag:s22], s20  }
0x9f: {  	s4 =	ssub.s32 $0x0, s20;
	[sflag:s22] =	ssyncset.done $0x0  }
0xa0: {  	[sflag:s22] =	ssyncadd.s32 s4;
	_ =	sdelay $0x1  }
0xa1: {  	s23 =	simm.s32 $0x1B8B  }
0xa2: {  	_ =	swait.ge [sflag:s23], $0x1  }
0xa3: {  	[sflag:s23] =	ssyncset.done $0x0  }
0xa4: {  	s25 =	simm.s32 $0x1B8E;
	s24 =	sld [smem:$0x3FFE];
	[sflag:s23] =	ssyncadd.s32 $0xFFFFFFFF  }
0xa5: {  	s26 =	simm.s32 $execute0_lowered;
	[smem:$0x3FD2] =	sst s25  }
0xa6: {  	s5 =	sshll.u32 s26, $0x1;
	_ =	strace $0x80000046;
	[dreg:$0x1] =	wrdreg $0xFFFFFFFF  }
0xa7: {  	s28 =	simm.s32 $_size_execute0_lowered;
	s3 =	sadd.s32 s3, s5;
	[dreg:$0x0] =	wrdreg $0x0  }
0xa8: {  	s5 =	sshll.u32 s28, $0x1;
	[dreg:$0x2] =	wrdreg s3  }
0xa9: {  	[dreg:$0x3] =	wrdreg s5  }
0xaa: {  	[dreg:$0x4] =	wrdreg $0xC0  }
0xab: {  	_ =	task [dreg:s7], $0x5FFFF  }
0xac: {  	[dreg:$0x1] =	wrdreg $0xFFFFFFFF  }
0xad: {  	[dreg:$0x0] =	wrdreg $0x60  }
0xae: {  	[dreg:$0x2] =	wrdreg s24  }
0xaf: {  	[dreg:$0x3] =	wrdreg s2  }
0xb0: {  	[dreg:$0x4] =	wrdreg $0x9  }
0xb1: {  	_ =	task.clear_ibuf [dreg:s7], $0x5FFFF;
	_ =	strace $0x90000046  }
0xb2: {  	s29 =	simm.s32 $0x9;
	_ =	strace $0x80000048  }
0xb3: {  	_ =	swait.ge [sflag:s29], $0x1  }
0xb4: {  	[sflag:s29] =	ssyncadd.s32 $0xFFFFFFFF  }
0xb5: {  	_ =	strace $0x90000048  }
0xb6: {  	_ =	sfence  }
0xb7: {  	s30 =	sld [smem:$0x0];
	_ =	sdelay $0x2  }
0xb8: {  	s31 =	sshll.u32 s1, $0xD;
	s1 =	sshrl.u32 s1, $0x2  }
0xb9: {  	s3 =	sand.u32 $0x4000, s31;
	s1 =	sadd.s32 s1, s30  }
0xba: {  	s0 =	sor.u32 s3, s0;
	s1 =	sshll.u32 s1, $0x11  }
0xbb: {  	s0 =	sor.u32 s1, s0  }
0xbc: {  	s0 =	sadd.s32 $0x8F2B, s0  }
0xbd: {  	[sflag:s0] =	ssyncadd.remote.s32 $0x1  }
0xbe: {  	_ =	sfence.sel $0xFFFF  }
0xbf: {  	[dreg:$0x0] =	wrdreg $0xFFFFFFFF;
	(pc) =	sbr.abs _section_cstart, $3  }
0xc0: {  	[dreg:$0x1] =	wrdreg $0xFFFFFFFF  }
0xc1: {  	_ =	task.clear_ibuf [dreg:s7], $0x2FFFF;
	_ =	strace $0x9FFFFFFF  }
0xc2: {  	(tm) =	ssettm $0x7FFFFFFF  }
0xc3: {  	_ =	shalt  }
tec
execute0_lowered:
.L_overlay_start_1:
0x0: {  	(tag) =	ssettag $0x1  }
0x1: {  	s3 =	rddreg [dreg:$0x0]  }
0x2: {  	s1 =	srdreg.scid;
	s0 =	stileid.u32  }
0x3: {  	s4 =	rddreg [dreg:$0x1];
	s5 =	sand.u32 $0x1, s1;
	s2 =	sshll.u32 s0, $0x1  }
0x4: {  	s1 =	rddreg [dreg:$0x2];
	s6 =	sor.u32 s5, s2  }
0x5: {  	s2 =	simm.s32 $0x0;
	s5 =	ssub.s32 $0x2, s5;
	s7 =	smul.u32 $0x280, s6  }
0x6: {  	[smem:$0x7FF] =	sst s2;
	s8 =	sshrl.u32 s5, $0x1;
	s6 =	smul.u32 $0x500, s6  }
0x7: {  	_ =	strace $0x80000047;
	s5 =	ssub.s32 s5, s8;
	s8 =	simm.s32 $0x0  }
0x8: {  	s3 =	sadd.s32 s7, s3;
	s4 =	sadd.s32 s4, s6;
	s5 =	smax.u32 s5, $0x1  }
0x9: {  	v0 =	vimm.f32 $0.0e+00;
	v1 =	vimm.f32 $1.000000000e+00;
	s6 =	simm.s32 $0x2800;
	s7 =	simm.s32 $0x1;
	s3 =	sadd.s32 $0x6E00, s3  }
.LBB2_1:
0xa: {  	[tilespmem:s6], [sflag:$0x1] =	stream.linear.gather [hbm4b:s3+s2], $0x1400, $0x38;
	[tilespmem:$0x3C00] =	vst v63  }
0xb: {  	_ =	swait.ge [sflag:s7], $0x1400  }
0xc: {  	[sflag:s7] =	ssyncset.done $0x0  }
0xd: {  	s9 =	simm.s32 $0x0;
	[sflag:s7] =	ssyncadd.s32 $0xFFFFEC00  }
.LBB2_2:
0xe: {  	p0 =	sne.s32 s9, $0x9FC0  }
.Ltmp0:
0xf: {  	_ = 	snop;
	(pc) =	sbr.rel @p0 .LBB2_2-.Ltmp0, $3  }
0x10: {  	_ =	sdelay $0x1  }
0x11: {  	s10 =	sshra.s32 s9, $0x2  }
0x12: {  	s9 =	sadd.s32 $0x40, s9;
	[tilespmem:s10+$0x0] =	vst v0  }
0x13: {  	s10 =	simm.s32 $0x0;
	s9 =	simm.s32 $0x40  }
.LBB2_4:
0x14: {  	p0 =	sne.s32 s9, $0x4FC0;
	v2 =	vld [tilespmem:s10+$0x2800];
	_ =	sdelay $0x3  }
.Ltmp1:
0x15: {  	(pc) =	sbr.rel @p0 .LBB2_4-.Ltmp1, $2  }
0x16: {  	_ =	sdelay $0x2  }
0x17: {  	s10 =	sshra.s32 s9, $0x2;
	s9 =	sadd.s32 $0x40, s9;
	[tilespmem:v2+s2+$0x0] =	vst.idx.add.f32.msk $0xffff, v1  }
0x18: {  	v2 =	vld [tilespmem:s10+$0x2800];
	_ =	sdelay $0x5  }
0x19: {  	s8 =	sadd.s32 $0x1, s8  }
0x1a: {  	p0 =	sne.s32 s8, s5  }
.Ltmp2:
0x1b: {  	[tilespmem:v2+s2+$0x0] =	vst.idx.add.f32.msk $0xffff, v1;
	(pc) =	sbr.rel @p0 .LBB2_1-.Ltmp2, $4  }
0x1c: {  	[hbm4b:s4+s2] =	stream.linear.scatter [tilespmem:s2], [sflag:$0x1], $0x2800, $0x38;
	[tilespmem:$0x3C00] =	vst v63  }
0x1d: {  	_ =	swait.ge [sflag:s7], $0x2800  }
0x1e: {  	[sflag:s7] =	ssyncset.done $0x0  }
0x1f: {  	[sflag:s7] =	ssyncadd.s32 $0xFFFFD800  }
0x20: {  	_ =	sfence.sel $0x180000  }
0x21: {  	[bflag:$0x0] =	sbarrier.arrive $0xFFFF  }
0x22: {  	p0 =	sne.s32 s0, $0x0;
	_ =	strace $0x90000047  }
0x23: {  	s0 =	sadd.s32 @!p0 $0x100000, s1;
	[bflag:$0x2] =	sbarrier.arrive $0xFFFF  }
0x24: {  	[sflag:s0] =	ssyncadd.tile.s32 @!p0 $0x1;
	_ =	shalt  }
.Lfunc_end2:
_tile_overlayer_lowered:
.L_overlay_start_2:
0x25: {  	(tag) =	ssettag $0x2  }
0x26: {  	s0 =	rddreg [dreg:$0x0];
	s2 =	stileid.u32  }
0x27: {  	s1 =	rddreg [dreg:$0x1];
	p0 =	sne.s32 s2, $0x0  }
0x28: {  	s3 =	rddreg [dreg:$0x2];
	[bflag:$0x3] =	sbarrier.arrive $0xFFFF;
	s2 =	simm.s32 @!p0 $0x1C01  }
0x29: {  	[timem:s3], [sflag:s2] =	dma.local @!p0 [hbm:s0], s1  }
0x2a: {  	s0 =	simm.s32 @!p0 $0x1  }
0x2b: {  	_ =	swait.ge @!p0 [sflag:s0], s1  }
0x2c: {  	s1 =	ssub.s32 @!p0 $0x0, s1;
	[sflag:s0] =	ssyncset.done @!p0 $0x0  }
0x2d: {  	[sflag:s0] =	ssyncadd.s32 @!p0 s1  }
0x2e: {  	[bflag:$0x3] =	sbarrier.arrive $0xFFFF  }
0x2f: {  	_ =	shalt  }

</sc_bundles>
